<compile_context>
chip_gen: v7x
topology: tpu7x:2x2x1
jax: 0.10.2.dev20260603
libtpu: 0.0.44.dev20260713+nightly
codegen_flags: <defaults>
</compile_context>

<pallas_src>
import functools

import jax
import jax.numpy as jnp
from jax import lax
from jax.experimental import pallas as pl
from jax.experimental.pallas import tpu as pltpu
from jax.experimental.pallas import tpu_sc as plsc

N = 256
E = 32
D = 128
H = 8
DH = D // H
SCALE = 1.0 / (DH ** 0.5)
NEG = -1e30

NW = 32
VPW = N // NW
NLANE = 16
NVEC = N // NLANE


def _dott(a, b):
    return lax.dot_general(a, b, (((1,), (1,)), ((), ())),
                           preferred_element_type=jnp.float32,
                           precision=lax.Precision.DEFAULT)


def _tc1_body(x_ref, ei_ref, ea_t_ref, wlin_ref, wedge_t_ref, ipw_ref,
              bqkv_ref, w_out, v_out, has_out):
    Mf = (ei_ref[...] != 0).astype(jnp.float32)
    Mt = Mf.T
    Wh = _dott(x_ref[...], wlin_ref[...])
    We = lax.dot_general(ea_t_ref[...], wedge_t_ref[...],
                         (((0,), (0,)), ((), ())),
                         preferred_element_type=jnp.float32,
                         precision=lax.Precision.DEFAULT)
    ipw = ipw_ref[...]
    Wq, Wk, Wv = ipw[0:D], ipw[D:2 * D], ipw[2 * D:3 * D]
    bq = bqkv_ref[0:1, :]
    bk = bqkv_ref[1:2, :]
    bv = bqkv_ref[2:3, :]
    Q = _dott(Wh, Wq) + bq
    Kx = _dott(Wh, Wk)
    V = _dott(Wh, Wv) + bv
    Ke = _dott(We, Wk) + bk

    U = _dott(Mt, Mt)
    has_out[...] = (jnp.sum(Mt, axis=1, keepdims=True) > 0.0).astype(
        jnp.float32)

    for h in range(H):
        sl = slice(h * DH, (h + 1) * DH)
        osl = slice(h * N, (h + 1) * N)
        Qh, Kxh, Vh, Keh = Q[:, sl], Kx[:, sl], V[:, sl], Ke[:, sl]
        Ah = _dott(Qh, Kxh) * SCALE
        mA = jnp.max(jnp.where(U > 0, Ah, NEG), axis=1, keepdims=True)
        P = jnp.where(U > 0, jnp.exp(Ah - mA), 0.0)
        Bh = _dott(Qh, Keh) * SCALE
        mB = jnp.max(jnp.where(Mt > 0, Bh, NEG), axis=1, keepdims=True)
        s = jnp.where(Mt > 0, jnp.exp(Bh - mB), 0.0)
        w_out[:, osl] = P * _dot_nt(s, Mf)
    v_out[...] = V


def _dot_nt(a, b):
    return lax.dot_general(a, b, (((1,), (0,)), ((), ())),
                           preferred_element_type=jnp.float32,
                           precision=lax.Precision.DEFAULT)


def _sc_body(w_hbm, v_hbm, out_hbm, w_v, v_v, o_v, sem_w, sem_v):
    wid = lax.axis_index("s") * 2 + lax.axis_index("c")
    base = wid * VPW
    cp_w = pltpu.async_copy(w_hbm.at[pl.ds(base, VPW)], w_v, sem_w)
    cp_v = pltpu.async_copy(v_hbm, v_v, sem_v)
    cp_w.wait()
    cp_v.wait()
    lanes = lax.iota(jnp.int32, NLANE)
    bfly = [lanes ^ k for k in (8, 4, 2, 1)]
    lane_idx = [jnp.full((NLANE,), t, dtype=jnp.int32) for t in range(NLANE)]
    zero = jnp.zeros((NLANE,), jnp.float32)

    def _perm(vec, idx):
        return vec.at[idx].get(mode="promise_in_bounds")

    def _allsum(vec):
        for idx in bfly:
            vec = vec + _perm(vec, idx)
        return vec

    def _tree(vals, op):
        while len(vals) > 1:
            vals = [op(vals[i], vals[i + 1]) if i + 1 < len(vals) else vals[i]
                    for i in range(0, len(vals), 2)]
        return vals[0]

    def h_loop(h, vi):
        col = h * N
        drow = h * DH

        def j_loop(j, carry):
            z = carry[0]
            accs = list(carry[1:])
            wj = w_v[vi, pl.ds(col + NLANE * j, NLANE)]
            z = z + wj
            jb = NLANE * j
            for t in range(NLANE):
                wb = _perm(wj, lane_idx[t])
                row = v_v[jb + t, pl.ds(drow, DH)]
                k = t % 8
                accs[k] = accs[k] + wb * row
            return (z, *accs)

        z, *accs = lax.fori_loop(0, NVEC, j_loop, (zero,) * 9)
        rz = 1.0 / _allsum(z)
        o_v[vi, pl.ds(drow, DH)] = _tree(accs, jnp.add) * rz
        return vi

    def v_loop(vi, carry):
        lax.fori_loop(0, H, h_loop, vi)
        return carry

    lax.fori_loop(0, VPW, v_loop, 0)
    pltpu.sync_copy(o_v, out_hbm.at[pl.ds(base, VPW)])


def _tc2_body(attn_ref, has_ref, wout_ref, bout_ref, out_ref):
    o = _dott(attn_ref[...], wout_ref[...]) + bout_ref[...]
    o = jnp.where(has_ref[...] > 0.0, o, 0.0)
    out_ref[...] = jnp.maximum(o, 0.0)


@jax.jit
def kernel(x, edge_index, edge_attr, W_lin, W_edge, in_proj_w, in_proj_b,
           out_proj_w, out_proj_b):
    bqkv = in_proj_b.reshape(3, D)

    tc1 = pl.pallas_call(
        _tc1_body,
        out_shape=(
            jax.ShapeDtypeStruct((N, H * N), jnp.float32),
            jax.ShapeDtypeStruct((N, D), jnp.float32),
            jax.ShapeDtypeStruct((N, 1), jnp.float32),
        ),
    )
    w_l, v_full, hasf = tc1(x, edge_index, edge_attr.T,
                            W_lin, W_edge.T, in_proj_w, bqkv)

    sc = functools.partial(
        pl.kernel,
        out_type=jax.ShapeDtypeStruct((N, D), jnp.float32),
        scratch_types=[
            pltpu.VMEM((VPW, H * N), jnp.float32),
            pltpu.VMEM((N, D), jnp.float32),
            pltpu.VMEM((VPW, D), jnp.float32),
            pltpu.SemaphoreType.DMA,
            pltpu.SemaphoreType.DMA,
        ],
        mesh=plsc.VectorSubcoreMesh(core_axis_name="c", subcore_axis_name="s"),
    )(_sc_body)
    attn = sc(w_l, v_full)

    tc2 = pl.pallas_call(
        _tc2_body,
        out_shape=jax.ShapeDtypeStruct((N, D), jnp.float32),
    )
    return tc2(attn, hasf, out_proj_w, out_proj_b.reshape(1, D))

# --- scband reference (transcript-rebuilt; emitter-appended) ---
"""Pipeline reference for scband-custom-hyper-semantic-message-passing-58574763983241 (READ-ONLY COPY).

The authoritative reference and input builder live on the scoring server;
editing this copy changes nothing except your own understanding.
"""

import jax, jax.numpy as jnp
import numpy as np

N = 256   # num nodes
E = 32    # num hyperedges (rows of incidence matrix)
IN = 128
OUT = 128
EDGE = 16
H = 8


def setup_inputs(seed: int = 0) -> dict:
    key = jax.random.key(seed)
    ks = [jax.random.fold_in(key, i) for i in range(10)]
    x = jax.random.normal(ks[0], (N, IN), dtype=jnp.float32)
    # The module treats edge_index as a dense {0,1} incidence matrix [E, N]:
    # edge_index[e, v] != 0  <=>  node v belongs to hyperedge e.
    edge_index = jax.random.randint(ks[1], (E, N), 0, 2)
    edge_attr = jax.random.normal(ks[2], (E, EDGE), dtype=jnp.float32)
    W_lin = jax.random.normal(ks[3], (OUT, IN), dtype=jnp.float32) / np.sqrt(IN)
    W_edge = jax.random.normal(ks[4], (OUT, EDGE), dtype=jnp.float32) / np.sqrt(EDGE)
    in_proj_w = jax.random.normal(ks[5], (3 * OUT, OUT), dtype=jnp.float32) / np.sqrt(OUT)
    in_proj_b = jax.random.normal(ks[6], (3 * OUT,), dtype=jnp.float32) * 0.02
    out_proj_w = jax.random.normal(ks[7], (OUT, OUT), dtype=jnp.float32) / np.sqrt(OUT)
    out_proj_b = jax.random.normal(ks[8], (OUT,), dtype=jnp.float32) * 0.02
    return {"x": x, "edge_index": edge_index, "edge_attr": edge_attr,
            "W_lin": W_lin, "W_edge": W_edge,
            "in_proj_w": in_proj_w, "in_proj_b": in_proj_b,
            "out_proj_w": out_proj_w, "out_proj_b": out_proj_b}


def reference(x, edge_index, edge_attr, W_lin, W_edge, in_proj_w, in_proj_b, out_proj_w, out_proj_b):
    n = x.shape[0]
    e = edge_attr.shape[0]
    D = W_lin.shape[0]
    dh = D // H
    scale = 1.0 / np.sqrt(dh)

    M = edge_index != 0                      # [E, N] incidence mask
    Wh = x @ W_lin.T                         # [N, D]
    We = edge_attr @ W_edge.T                # [E, D]

    Wq, Wk, Wv = jnp.split(in_proj_w, 3, axis=0)
    bq, bk, bv = jnp.split(in_proj_b, 3, axis=0)

    # keys for (edge e, node u): Wh[u] + We[e]; values: Wh[u]
    keys = Wh[None, :, :] + We[:, None, :]               # [E, N, D]
    k_h = (keys @ Wk.T + bk).reshape(e, n, H, dh)        # [E, N, H, dh]
    v_h = (Wh @ Wv.T + bv).reshape(n, H, dh)             # [N, H, dh]

    def per_node(v):
        q = (Wh[v] @ Wq.T + bq).reshape(H, dh)           # [H, dh]
        has = M[:, v].any()
        pm = M[:, v][:, None] & M                        # [E, N] valid (e, u) pairs
        scores = jnp.einsum('hd,enhd->hen', q, k_h) * scale   # [H, E, N]
        scores = jnp.where(pm[None, :, :], scores, -1e30)
        p = jax.nn.softmax(scores.reshape(H, -1), axis=-1).reshape(H, e, n)
        p = jnp.where(pm[None, :, :], p, 0.0)
        attn = jnp.einsum('hen,nhd->hd', p, v_h).reshape(D)
        o = attn @ out_proj_w.T + out_proj_b
        return jnp.where(has, o, jnp.zeros_like(o))

    out = jax.lax.map(per_node, jnp.arange(n))
    return jax.nn.relu(out)

if __name__ == "__main__":
    import jax
    _d = setup_inputs()
    print(jax.jit(kernel)(*tuple(_d.values())))

</pallas_src>

<mosaic_0001>
#map = affine_map<(d0, d1) -> (0, 0)>
module attributes {stable_mosaic.version = 14 : i64} {
  func.func @_sc_body(%arg0: i32, %arg1: i32, %arg2: memref<256x2048xf32, #tpu.memory_space<hbm>>, %arg3: memref<256x128xf32, #tpu.memory_space<hbm>>, %arg4: memref<256x128xf32, #tpu.memory_space<hbm>>, %arg5: memref<8x2048xf32, #tpu.memory_space<vmem>>, %arg6: memref<256x128xf32, #tpu.memory_space<vmem>>, %arg7: memref<8x128xf32, #tpu.memory_space<vmem>>, %arg8: memref<!tpu.dma_semaphore, #tpu.memory_space<semaphore_mem>>, %arg9: memref<!tpu.dma_semaphore, #tpu.memory_space<semaphore_mem>>) attributes {dimension_semantics = [#tpu.dimension_semantics<core_parallel>, #tpu.dimension_semantics<subcore_parallel>], iteration_bounds = array<i64: 2, 16>, scalar_prefetch = 0 : i64, scratch_operands = 5 : i64, tpu.core_type = #tpu.core_type<sc_vector_subcore>, window_params = [{transform_indices = #map}, {transform_indices = #map}, {transform_indices = #map}]} {
    %mul3A = arith.constant 2 : i32
    %mul3A_0 = arith.muli %arg1, %mul3A : i32
    %add3A = arith.addi %mul3A_0, %arg0 : i32
    %mul3A_1 = arith.constant 8 : i32
    %mul3A_2 = arith.muli %add3A, %mul3A_1 : i32
    %dma_start3A = arith.constant 0 : i32
    %dma_start3A_3 = tpu.memref_slice %arg2[%mul3A_2, %dma_start3A] : memref<256x2048xf32, #tpu.memory_space<hbm>> -> memref<8x2048xf32, #tpu.memory_space<hbm>>
    %dma_start3A_4 = arith.constant 0 : i32
    %dma_start3A_5 = tpu.memref_slice %arg2[%mul3A_2, %dma_start3A_4] : memref<256x2048xf32, #tpu.memory_space<hbm>> -> memref<8x2048xf32, #tpu.memory_space<hbm>>
    tpu.enqueue_dma source(%dma_start3A_5 : memref<8x2048xf32, #tpu.memory_space<hbm>>) target(%arg5 : memref<8x2048xf32, #tpu.memory_space<vmem>>) target_semaphore(%arg8 : memref<!tpu.dma_semaphore, #tpu.memory_space<semaphore_mem>>)
    tpu.enqueue_dma source(%arg3 : memref<256x128xf32, #tpu.memory_space<hbm>>) target(%arg6 : memref<256x128xf32, #tpu.memory_space<vmem>>) target_semaphore(%arg9 : memref<!tpu.dma_semaphore, #tpu.memory_space<semaphore_mem>>)
    %dma_wait3A = arith.constant 0 : i32
    %dma_wait3A_6 = tpu.memref_slice %arg2[%mul3A_2, %dma_wait3A] : memref<256x2048xf32, #tpu.memory_space<hbm>> -> memref<8x2048xf32, #tpu.memory_space<hbm>>
    %dma_wait3A_7 = arith.constant 0 : i32
    %dma_wait3A_8 = tpu.memref_slice %arg2[%mul3A_2, %dma_wait3A_7] : memref<256x2048xf32, #tpu.memory_space<hbm>> -> memref<8x2048xf32, #tpu.memory_space<hbm>>
    tpu.wait_dma2 semaphore(%arg8 : memref<!tpu.dma_semaphore, #tpu.memory_space<semaphore_mem>>) src(%dma_wait3A_8 : memref<8x2048xf32, #tpu.memory_space<hbm>>) dst(%arg5 : memref<8x2048xf32, #tpu.memory_space<vmem>>)
    tpu.wait_dma2 semaphore(%arg9 : memref<!tpu.dma_semaphore, #tpu.memory_space<semaphore_mem>>) src(%arg3 : memref<256x128xf32, #tpu.memory_space<hbm>>) dst(%arg6 : memref<256x128xf32, #tpu.memory_space<vmem>>)
    %iota3A = tpu.iota {dimensions = array<i32: 0>} : vector<16xi32>
    %xor3A = arith.constant 8 : i32
    %xor3A_9 = vector.broadcast %xor3A : i32 to vector<16xi32>
    %xor3A_10 = arith.xori %iota3A, %xor3A_9 : vector<16xi32>
    %xor3A_11 = arith.constant 4 : i32
    %xor3A_12 = vector.broadcast %xor3A_11 : i32 to vector<16xi32>
    %xor3A_13 = arith.xori %iota3A, %xor3A_12 : vector<16xi32>
    %xor3A_14 = arith.constant 2 : i32
    %xor3A_15 = vector.broadcast %xor3A_14 : i32 to vector<16xi32>
    %xor3A_16 = arith.xori %iota3A, %xor3A_15 : vector<16xi32>
    %xor3A_17 = arith.constant 1 : i32
    %xor3A_18 = vector.broadcast %xor3A_17 : i32 to vector<16xi32>
    %xor3A_19 = arith.xori %iota3A, %xor3A_18 : vector<16xi32>
    %broadcast_in_dim3A = arith.constant 0 : i32
    %broadcast_in_dim3A_20 = vector.broadcast %broadcast_in_dim3A : i32 to vector<16xi32>
    %broadcast_in_dim3A_21 = arith.constant 1 : i32
    %broadcast_in_dim3A_22 = vector.broadcast %broadcast_in_dim3A_21 : i32 to vector<16xi32>
    %broadcast_in_dim3A_23 = arith.constant 2 : i32
    %broadcast_in_dim3A_24 = vector.broadcast %broadcast_in_dim3A_23 : i32 to vector<16xi32>
    %broadcast_in_dim3A_25 = arith.constant 3 : i32
    %broadcast_in_dim3A_26 = vector.broadcast %broadcast_in_dim3A_25 : i32 to vector<16xi32>
    %broadcast_in_dim3A_27 = arith.constant 4 : i32
    %broadcast_in_dim3A_28 = vector.broadcast %broadcast_in_dim3A_27 : i32 to vector<16xi32>
    %broadcast_in_dim3A_29 = arith.constant 5 : i32
    %broadcast_in_dim3A_30 = vector.broadcast %broadcast_in_dim3A_29 : i32 to vector<16xi32>
    %broadcast_in_dim3A_31 = arith.constant 6 : i32
    %broadcast_in_dim3A_32 = vector.broadcast %broadcast_in_dim3A_31 : i32 to vector<16xi32>
    %broadcast_in_dim3A_33 = arith.constant 7 : i32
    %broadcast_in_dim3A_34 = vector.broadcast %broadcast_in_dim3A_33 : i32 to vector<16xi32>
    %broadcast_in_dim3A_35 = arith.constant 8 : i32
    %broadcast_in_dim3A_36 = vector.broadcast %broadcast_in_dim3A_35 : i32 to vector<16xi32>
    %broadcast_in_dim3A_37 = arith.constant 9 : i32
    %broadcast_in_dim3A_38 = vector.broadcast %broadcast_in_dim3A_37 : i32 to vector<16xi32>
    %broadcast_in_dim3A_39 = arith.constant 10 : i32
    %broadcast_in_dim3A_40 = vector.broadcast %broadcast_in_dim3A_39 : i32 to vector<16xi32>
    %broadcast_in_dim3A_41 = arith.constant 11 : i32
    %broadcast_in_dim3A_42 = vector.broadcast %broadcast_in_dim3A_41 : i32 to vector<16xi32>
    %broadcast_in_dim3A_43 = arith.constant 12 : i32
    %broadcast_in_dim3A_44 = vector.broadcast %broadcast_in_dim3A_43 : i32 to vector<16xi32>
    %broadcast_in_dim3A_45 = arith.constant 13 : i32
    %broadcast_in_dim3A_46 = vector.broadcast %broadcast_in_dim3A_45 : i32 to vector<16xi32>
    %broadcast_in_dim3A_47 = arith.constant 14 : i32
    %broadcast_in_dim3A_48 = vector.broadcast %broadcast_in_dim3A_47 : i32 to vector<16xi32>
    %broadcast_in_dim3A_49 = arith.constant 15 : i32
    %broadcast_in_dim3A_50 = vector.broadcast %broadcast_in_dim3A_49 : i32 to vector<16xi32>
    %broadcast_in_dim3A_51 = arith.constant 0.000000e+00 : f32
    %broadcast_in_dim3A_52 = vector.broadcast %broadcast_in_dim3A_51 : f32 to vector<16xf32>
    %scan3A = arith.constant 0 : i32
    %scan3A_53 = arith.constant 0 : i32
    %scan3A_54 = arith.constant 8 : i32
    %scan3A_55 = arith.addi %scan3A_53, %scan3A_54 : i32
    %scan3A_56 = arith.constant 1 : i32
    scf.for %scan3A_58 = %scan3A_53 to %scan3A_55 step %scan3A_56  : i32 {
      %scan3A_59 = arith.constant 0 : i32
      %scan3A_60 = arith.constant 8 : i32
      %scan3A_61 = arith.addi %scan3A_59, %scan3A_60 : i32
      %scan3A_62 = arith.constant 1 : i32
      scf.for %scan3A_64 = %scan3A_59 to %scan3A_61 step %scan3A_62  : i32 {
        %mul3A_65 = arith.constant 256 : i32
        %mul3A_66 = arith.muli %scan3A_64, %mul3A_65 : i32
        %mul3A_67 = arith.constant 16 : i32
        %mul3A_68 = arith.muli %scan3A_64, %mul3A_67 : i32
        %scan3A_69 = arith.constant 0 : i32
        %scan3A_70 = arith.constant 16 : i32
        %scan3A_71 = arith.addi %scan3A_69, %scan3A_70 : i32
        %scan3A_72 = arith.constant 1 : i32
        %scan3A_73:9 = scf.for %scan3A_130 = %scan3A_69 to %scan3A_71 step %scan3A_72 iter_args(%scan3A_131 = %broadcast_in_dim3A_52, %scan3A_132 = %broadcast_in_dim3A_52, %scan3A_133 = %broadcast_in_dim3A_52, %scan3A_134 = %broadcast_in_dim3A_52, %scan3A_135 = %broadcast_in_dim3A_52, %scan3A_136 = %broadcast_in_dim3A_52, %scan3A_137 = %broadcast_in_dim3A_52, %scan3A_138 = %broadcast_in_dim3A_52, %scan3A_139 = %broadcast_in_dim3A_52) -> (vector<16xf32>, vector<16xf32>, vector<16xf32>, vector<16xf32>, vector<16xf32>, vector<16xf32>, vector<16xf32>, vector<16xf32>, vector<16xf32>)  : i32 {
          %mul3A_140 = arith.constant 16 : i32
          %mul3A_141 = arith.muli %mul3A_140, %scan3A_130 : i32
          %add3A_142 = arith.addi %mul3A_66, %mul3A_141 : i32
          %get3A = arith.index_cast %scan3A_58 : i32 to index
          %get3A_143 = arith.index_cast %add3A_142 : i32 to index
          %get3A_144 = tpu.vector_load %arg5[%get3A, %get3A_143] {strides = array<i32>} : memref<8x2048xf32, #tpu.memory_space<vmem>>, vector<1x16xf32>,
          %get3A_145 = vector.shape_cast %get3A_144 : vector<1x16xf32> to vector<16xf32>
          %add3A_146 = arith.addf %scan3A_131, %get3A_145 : vector<16xf32>
          %mul3A_147 = arith.constant 16 : i32
          %mul3A_148 = arith.muli %mul3A_147, %scan3A_130 : i32
          %lt3A_149 = arith.constant 0 : i32
          %lt3A_150 = vector.broadcast %lt3A_149 : i32 to vector<16xi32>
          %lt3A_151 = arith.cmpi slt, %broadcast_in_dim3A_20, %lt3A_150 : vector<16xi32>
          %add3A_152 = arith.constant 16 : i32
          %add3A_153 = vector.broadcast %add3A_152 : i32 to vector<16xi32>
          %add3A_154 = arith.addi %broadcast_in_dim3A_20, %add3A_153 : vector<16xi32>
          %select_n3A_155 = arith.select %lt3A_151, %add3A_154, %broadcast_in_dim3A_20 : vector<16xi1>, vector<16xi32>
          %broadcast_in_dim3A_156 = vector.shape_cast %select_n3A_155 : vector<16xi32> to vector<16x1xi32>
          %gather3A_157 = vector.shape_cast %broadcast_in_dim3A_156 : vector<16x1xi32> to vector<16xi32>
          %gather3A_158 = tpu.dynamic_gather %get3A_145[%gather3A_157] in [0] : vector<16xf32>, vector<16xi32> -> vector<16xf32>
          %add3A_159 = arith.constant 0 : i32
          %add3A_160 = arith.addi %mul3A_148, %add3A_159 : i32
          %get3A_161 = arith.index_cast %add3A_160 : i32 to index
          %get3A_162 = arith.index_cast %mul3A_68 : i32 to index
          %get3A_163 = tpu.vector_load %arg6[%get3A_161, %get3A_162] {strides = array<i32>} : memref<256x128xf32, #tpu.memory_space<vmem>>, vector<1x16xf32>,
          %get3A_164 = vector.shape_cast %get3A_163 : vector<1x16xf32> to vector<16xf32>
          %mul3A_165 = arith.mulf %gather3A_158, %get3A_164 : vector<16xf32>
          %add3A_166 = arith.addf %scan3A_132, %mul3A_165 : vector<16xf32>
          %lt3A_167 = arith.constant 0 : i32
          %lt3A_168 = vector.broadcast %lt3A_167 : i32 to vector<16xi32>
          %lt3A_169 = arith.cmpi slt, %broadcast_in_dim3A_22, %lt3A_168 : vector<16xi32>
          %add3A_170 = arith.constant 16 : i32
          %add3A_171 = vector.broadcast %add3A_170 : i32 to vector<16xi32>
          %add3A_172 = arith.addi %broadcast_in_dim3A_22, %add3A_171 : vector<16xi32>
          %select_n3A_173 = arith.select %lt3A_169, %add3A_172, %broadcast_in_dim3A_22 : vector<16xi1>, vector<16xi32>
          %broadcast_in_dim3A_174 = vector.shape_cast %select_n3A_173 : vector<16xi32> to vector<16x1xi32>
          %gather3A_175 = vector.shape_cast %broadcast_in_dim3A_174 : vector<16x1xi32> to vector<16xi32>
          %gather3A_176 = tpu.dynamic_gather %get3A_145[%gather3A_175] in [0] : vector<16xf32>, vector<16xi32> -> vector<16xf32>
          %add3A_177 = arith.constant 1 : i32
          %add3A_178 = arith.addi %mul3A_148, %add3A_177 : i32
          %get3A_179 = arith.index_cast %add3A_178 : i32 to index
          %get3A_180 = arith.index_cast %mul3A_68 : i32 to index
          %get3A_181 = tpu.vector_load %arg6[%get3A_179, %get3A_180] {strides = array<i32>} : memref<256x128xf32, #tpu.memory_space<vmem>>, vector<1x16xf32>,
          %get3A_182 = vector.shape_cast %get3A_181 : vector<1x16xf32> to vector<16xf32>
          %mul3A_183 = arith.mulf %gather3A_176, %get3A_182 : vector<16xf32>
          %add3A_184 = arith.addf %scan3A_133, %mul3A_183 : vector<16xf32>
          %lt3A_185 = arith.constant 0 : i32
          %lt3A_186 = vector.broadcast %lt3A_185 : i32 to vector<16xi32>
          %lt3A_187 = arith.cmpi slt, %broadcast_in_dim3A_24, %lt3A_186 : vector<16xi32>
          %add3A_188 = arith.constant 16 : i32
          %add3A_189 = vector.broadcast %add3A_188 : i32 to vector<16xi32>
          %add3A_190 = arith.addi %broadcast_in_dim3A_24, %add3A_189 : vector<16xi32>
          %select_n3A_191 = arith.select %lt3A_187, %add3A_190, %broadcast_in_dim3A_24 : vector<16xi1>, vector<16xi32>
          %broadcast_in_dim3A_192 = vector.shape_cast %select_n3A_191 : vector<16xi32> to vector<16x1xi32>
          %gather3A_193 = vector.shape_cast %broadcast_in_dim3A_192 : vector<16x1xi32> to vector<16xi32>
          %gather3A_194 = tpu.dynamic_gather %get3A_145[%gather3A_193] in [0] : vector<16xf32>, vector<16xi32> -> vector<16xf32>
          %add3A_195 = arith.constant 2 : i32
          %add3A_196 = arith.addi %mul3A_148, %add3A_195 : i32
          %get3A_197 = arith.index_cast %add3A_196 : i32 to index
          %get3A_198 = arith.index_cast %mul3A_68 : i32 to index
          %get3A_199 = tpu.vector_load %arg6[%get3A_197, %get3A_198] {strides = array<i32>} : memref<256x128xf32, #tpu.memory_space<vmem>>, vector<1x16xf32>,
          %get3A_200 = vector.shape_cast %get3A_199 : vector<1x16xf32> to vector<16xf32>
          %mul3A_201 = arith.mulf %gather3A_194, %get3A_200 : vector<16xf32>
          %add3A_202 = arith.addf %scan3A_134, %mul3A_201 : vector<16xf32>
          %lt3A_203 = arith.constant 0 : i32
          %lt3A_204 = vector.broadcast %lt3A_203 : i32 to vector<16xi32>
          %lt3A_205 = arith.cmpi slt, %broadcast_in_dim3A_26, %lt3A_204 : vector<16xi32>
          %add3A_206 = arith.constant 16 : i32
          %add3A_207 = vector.broadcast %add3A_206 : i32 to vector<16xi32>
          %add3A_208 = arith.addi %broadcast_in_dim3A_26, %add3A_207 : vector<16xi32>
          %select_n3A_209 = arith.select %lt3A_205, %add3A_208, %broadcast_in_dim3A_26 : vector<16xi1>, vector<16xi32>
          %broadcast_in_dim3A_210 = vector.shape_cast %select_n3A_209 : vector<16xi32> to vector<16x1xi32>
          %gather3A_211 = vector.shape_cast %broadcast_in_dim3A_210 : vector<16x1xi32> to vector<16xi32>
          %gather3A_212 = tpu.dynamic_gather %get3A_145[%gather3A_211] in [0] : vector<16xf32>, vector<16xi32> -> vector<16xf32>
          %add3A_213 = arith.constant 3 : i32
          %add3A_214 = arith.addi %mul3A_148, %add3A_213 : i32
          %get3A_215 = arith.index_cast %add3A_214 : i32 to index
          %get3A_216 = arith.index_cast %mul3A_68 : i32 to index
          %get3A_217 = tpu.vector_load %arg6[%get3A_215, %get3A_216] {strides = array<i32>} : memref<256x128xf32, #tpu.memory_space<vmem>>, vector<1x16xf32>,
          %get3A_218 = vector.shape_cast %get3A_217 : vector<1x16xf32> to vector<16xf32>
          %mul3A_219 = arith.mulf %gather3A_212, %get3A_218 : vector<16xf32>
          %add3A_220 = arith.addf %scan3A_135, %mul3A_219 : vector<16xf32>
          %lt3A_221 = arith.constant 0 : i32
          %lt3A_222 = vector.broadcast %lt3A_221 : i32 to vector<16xi32>
          %lt3A_223 = arith.cmpi slt, %broadcast_in_dim3A_28, %lt3A_222 : vector<16xi32>
          %add3A_224 = arith.constant 16 : i32
          %add3A_225 = vector.broadcast %add3A_224 : i32 to vector<16xi32>
          %add3A_226 = arith.addi %broadcast_in_dim3A_28, %add3A_225 : vector<16xi32>
          %select_n3A_227 = arith.select %lt3A_223, %add3A_226, %broadcast_in_dim3A_28 : vector<16xi1>, vector<16xi32>
          %broadcast_in_dim3A_228 = vector.shape_cast %select_n3A_227 : vector<16xi32> to vector<16x1xi32>
          %gather3A_229 = vector.shape_cast %broadcast_in_dim3A_228 : vector<16x1xi32> to vector<16xi32>
          %gather3A_230 = tpu.dynamic_gather %get3A_145[%gather3A_229] in [0] : vector<16xf32>, vector<16xi32> -> vector<16xf32>
          %add3A_231 = arith.constant 4 : i32
          %add3A_232 = arith.addi %mul3A_148, %add3A_231 : i32
          %get3A_233 = arith.index_cast %add3A_232 : i32 to index
          %get3A_234 = arith.index_cast %mul3A_68 : i32 to index
          %get3A_235 = tpu.vector_load %arg6[%get3A_233, %get3A_234] {strides = array<i32>} : memref<256x128xf32, #tpu.memory_space<vmem>>, vector<1x16xf32>,
          %get3A_236 = vector.shape_cast %get3A_235 : vector<1x16xf32> to vector<16xf32>
          %mul3A_237 = arith.mulf %gather3A_230, %get3A_236 : vector<16xf32>
          %add3A_238 = arith.addf %scan3A_136, %mul3A_237 : vector<16xf32>
          %lt3A_239 = arith.constant 0 : i32
          %lt3A_240 = vector.broadcast %lt3A_239 : i32 to vector<16xi32>
          %lt3A_241 = arith.cmpi slt, %broadcast_in_dim3A_30, %lt3A_240 : vector<16xi32>
          %add3A_242 = arith.constant 16 : i32
          %add3A_243 = vector.broadcast %add3A_242 : i32 to vector<16xi32>
          %add3A_244 = arith.addi %broadcast_in_dim3A_30, %add3A_243 : vector<16xi32>
          %select_n3A_245 = arith.select %lt3A_241, %add3A_244, %broadcast_in_dim3A_30 : vector<16xi1>, vector<16xi32>
          %broadcast_in_dim3A_246 = vector.shape_cast %select_n3A_245 : vector<16xi32> to vector<16x1xi32>
          %gather3A_247 = vector.shape_cast %broadcast_in_dim3A_246 : vector<16x1xi32> to vector<16xi32>
          %gather3A_248 = tpu.dynamic_gather %get3A_145[%gather3A_247] in [0] : vector<16xf32>, vector<16xi32> -> vector<16xf32>
          %add3A_249 = arith.constant 5 : i32
          %add3A_250 = arith.addi %mul3A_148, %add3A_249 : i32
          %get3A_251 = arith.index_cast %add3A_250 : i32 to index
          %get3A_252 = arith.index_cast %mul3A_68 : i32 to index
          %get3A_253 = tpu.vector_load %arg6[%get3A_251, %get3A_252] {strides = array<i32>} : memref<256x128xf32, #tpu.memory_space<vmem>>, vector<1x16xf32>,
          %get3A_254 = vector.shape_cast %get3A_253 : vector<1x16xf32> to vector<16xf32>
          %mul3A_255 = arith.mulf %gather3A_248, %get3A_254 : vector<16xf32>
          %add3A_256 = arith.addf %scan3A_137, %mul3A_255 : vector<16xf32>
          %lt3A_257 = arith.constant 0 : i32
          %lt3A_258 = vector.broadcast %lt3A_257 : i32 to vector<16xi32>
          %lt3A_259 = arith.cmpi slt, %broadcast_in_dim3A_32, %lt3A_258 : vector<16xi32>
          %add3A_260 = arith.constant 16 : i32
          %add3A_261 = vector.broadcast %add3A_260 : i32 to vector<16xi32>
          %add3A_262 = arith.addi %broadcast_in_dim3A_32, %add3A_261 : vector<16xi32>
          %select_n3A_263 = arith.select %lt3A_259, %add3A_262, %broadcast_in_dim3A_32 : vector<16xi1>, vector<16xi32>
          %broadcast_in_dim3A_264 = vector.shape_cast %select_n3A_263 : vector<16xi32> to vector<16x1xi32>
          %gather3A_265 = vector.shape_cast %broadcast_in_dim3A_264 : vector<16x1xi32> to vector<16xi32>
          %gather3A_266 = tpu.dynamic_gather %get3A_145[%gather3A_265] in [0] : vector<16xf32>, vector<16xi32> -> vector<16xf32>
          %add3A_267 = arith.constant 6 : i32
          %add3A_268 = arith.addi %mul3A_148, %add3A_267 : i32
          %get3A_269 = arith.index_cast %add3A_268 : i32 to index
          %get3A_270 = arith.index_cast %mul3A_68 : i32 to index
          %get3A_271 = tpu.vector_load %arg6[%get3A_269, %get3A_270] {strides = array<i32>} : memref<256x128xf32, #tpu.memory_space<vmem>>, vector<1x16xf32>,
          %get3A_272 = vector.shape_cast %get3A_271 : vector<1x16xf32> to vector<16xf32>
          %mul3A_273 = arith.mulf %gather3A_266, %get3A_272 : vector<16xf32>
          %add3A_274 = arith.addf %scan3A_138, %mul3A_273 : vector<16xf32>
          %lt3A_275 = arith.constant 0 : i32
          %lt3A_276 = vector.broadcast %lt3A_275 : i32 to vector<16xi32>
          %lt3A_277 = arith.cmpi slt, %broadcast_in_dim3A_34, %lt3A_276 : vector<16xi32>
          %add3A_278 = arith.constant 16 : i32
          %add3A_279 = vector.broadcast %add3A_278 : i32 to vector<16xi32>
          %add3A_280 = arith.addi %broadcast_in_dim3A_34, %add3A_279 : vector<16xi32>
          %select_n3A_281 = arith.select %lt3A_277, %add3A_280, %broadcast_in_dim3A_34 : vector<16xi1>, vector<16xi32>
          %broadcast_in_dim3A_282 = vector.shape_cast %select_n3A_281 : vector<16xi32> to vector<16x1xi32>
          %gather3A_283 = vector.shape_cast %broadcast_in_dim3A_282 : vector<16x1xi32> to vector<16xi32>
          %gather3A_284 = tpu.dynamic_gather %get3A_145[%gather3A_283] in [0] : vector<16xf32>, vector<16xi32> -> vector<16xf32>
          %add3A_285 = arith.constant 7 : i32
          %add3A_286 = arith.addi %mul3A_148, %add3A_285 : i32
          %get3A_287 = arith.index_cast %add3A_286 : i32 to index
          %get3A_288 = arith.index_cast %mul3A_68 : i32 to index
          %get3A_289 = tpu.vector_load %arg6[%get3A_287, %get3A_288] {strides = array<i32>} : memref<256x128xf32, #tpu.memory_space<vmem>>, vector<1x16xf32>,
          %get3A_290 = vector.shape_cast %get3A_289 : vector<1x16xf32> to vector<16xf32>
          %mul3A_291 = arith.mulf %gather3A_284, %get3A_290 : vector<16xf32>
          %add3A_292 = arith.addf %scan3A_139, %mul3A_291 : vector<16xf32>
          %lt3A_293 = arith.constant 0 : i32
          %lt3A_294 = vector.broadcast %lt3A_293 : i32 to vector<16xi32>
          %lt3A_295 = arith.cmpi slt, %broadcast_in_dim3A_36, %lt3A_294 : vector<16xi32>
          %add3A_296 = arith.constant 16 : i32
          %add3A_297 = vector.broadcast %add3A_296 : i32 to vector<16xi32>
          %add3A_298 = arith.addi %broadcast_in_dim3A_36, %add3A_297 : vector<16xi32>
          %select_n3A_299 = arith.select %lt3A_295, %add3A_298, %broadcast_in_dim3A_36 : vector<16xi1>, vector<16xi32>
          %broadcast_in_dim3A_300 = vector.shape_cast %select_n3A_299 : vector<16xi32> to vector<16x1xi32>
          %gather3A_301 = vector.shape_cast %broadcast_in_dim3A_300 : vector<16x1xi32> to vector<16xi32>
          %gather3A_302 = tpu.dynamic_gather %get3A_145[%gather3A_301] in [0] : vector<16xf32>, vector<16xi32> -> vector<16xf32>
          %add3A_303 = arith.constant 8 : i32
          %add3A_304 = arith.addi %mul3A_148, %add3A_303 : i32
          %get3A_305 = arith.index_cast %add3A_304 : i32 to index
          %get3A_306 = arith.index_cast %mul3A_68 : i32 to index
          %get3A_307 = tpu.vector_load %arg6[%get3A_305, %get3A_306] {strides = array<i32>} : memref<256x128xf32, #tpu.memory_space<vmem>>, vector<1x16xf32>,
          %get3A_308 = vector.shape_cast %get3A_307 : vector<1x16xf32> to vector<16xf32>
          %mul3A_309 = arith.mulf %gather3A_302, %get3A_308 : vector<16xf32>
          %add3A_310 = arith.addf %add3A_166, %mul3A_309 : vector<16xf32>
          %lt3A_311 = arith.constant 0 : i32
          %lt3A_312 = vector.broadcast %lt3A_311 : i32 to vector<16xi32>
          %lt3A_313 = arith.cmpi slt, %broadcast_in_dim3A_38, %lt3A_312 : vector<16xi32>
          %add3A_314 = arith.constant 16 : i32
          %add3A_315 = vector.broadcast %add3A_314 : i32 to vector<16xi32>
          %add3A_316 = arith.addi %broadcast_in_dim3A_38, %add3A_315 : vector<16xi32>
          %select_n3A_317 = arith.select %lt3A_313, %add3A_316, %broadcast_in_dim3A_38 : vector<16xi1>, vector<16xi32>
          %broadcast_in_dim3A_318 = vector.shape_cast %select_n3A_317 : vector<16xi32> to vector<16x1xi32>
          %gather3A_319 = vector.shape_cast %broadcast_in_dim3A_318 : vector<16x1xi32> to vector<16xi32>
          %gather3A_320 = tpu.dynamic_gather %get3A_145[%gather3A_319] in [0] : vector<16xf32>, vector<16xi32> -> vector<16xf32>
          %add3A_321 = arith.constant 9 : i32
          %add3A_322 = arith.addi %mul3A_148, %add3A_321 : i32
          %get3A_323 = arith.index_cast %add3A_322 : i32 to index
          %get3A_324 = arith.index_cast %mul3A_68 : i32 to index
          %get3A_325 = tpu.vector_load %arg6[%get3A_323, %get3A_324] {strides = array<i32>} : memref<256x128xf32, #tpu.memory_space<vmem>>, vector<1x16xf32>,
          %get3A_326 = vector.shape_cast %get3A_325 : vector<1x16xf32> to vector<16xf32>
          %mul3A_327 = arith.mulf %gather3A_320, %get3A_326 : vector<16xf32>
          %add3A_328 = arith.addf %add3A_184, %mul3A_327 : vector<16xf32>
          %lt3A_329 = arith.constant 0 : i32
          %lt3A_330 = vector.broadcast %lt3A_329 : i32 to vector<16xi32>
          %lt3A_331 = arith.cmpi slt, %broadcast_in_dim3A_40, %lt3A_330 : vector<16xi32>
          %add3A_332 = arith.constant 16 : i32
          %add3A_333 = vector.broadcast %add3A_332 : i32 to vector<16xi32>
          %add3A_334 = arith.addi %broadcast_in_dim3A_40, %add3A_333 : vector<16xi32>
          %select_n3A_335 = arith.select %lt3A_331, %add3A_334, %broadcast_in_dim3A_40 : vector<16xi1>, vector<16xi32>
          %broadcast_in_dim3A_336 = vector.shape_cast %select_n3A_335 : vector<16xi32> to vector<16x1xi32>
          %gather3A_337 = vector.shape_cast %broadcast_in_dim3A_336 : vector<16x1xi32> to vector<16xi32>
          %gather3A_338 = tpu.dynamic_gather %get3A_145[%gather3A_337] in [0] : vector<16xf32>, vector<16xi32> -> vector<16xf32>
          %add3A_339 = arith.constant 10 : i32
          %add3A_340 = arith.addi %mul3A_148, %add3A_339 : i32
          %get3A_341 = arith.index_cast %add3A_340 : i32 to index
          %get3A_342 = arith.index_cast %mul3A_68 : i32 to index
          %get3A_343 = tpu.vector_load %arg6[%get3A_341, %get3A_342] {strides = array<i32>} : memref<256x128xf32, #tpu.memory_space<vmem>>, vector<1x16xf32>,
          %get3A_344 = vector.shape_cast %get3A_343 : vector<1x16xf32> to vector<16xf32>
          %mul3A_345 = arith.mulf %gather3A_338, %get3A_344 : vector<16xf32>
          %add3A_346 = arith.addf %add3A_202, %mul3A_345 : vector<16xf32>
          %lt3A_347 = arith.constant 0 : i32
          %lt3A_348 = vector.broadcast %lt3A_347 : i32 to vector<16xi32>
          %lt3A_349 = arith.cmpi slt, %broadcast_in_dim3A_42, %lt3A_348 : vector<16xi32>
          %add3A_350 = arith.constant 16 : i32
          %add3A_351 = vector.broadcast %add3A_350 : i32 to vector<16xi32>
          %add3A_352 = arith.addi %broadcast_in_dim3A_42, %add3A_351 : vector<16xi32>
          %select_n3A_353 = arith.select %lt3A_349, %add3A_352, %broadcast_in_dim3A_42 : vector<16xi1>, vector<16xi32>
          %broadcast_in_dim3A_354 = vector.shape_cast %select_n3A_353 : vector<16xi32> to vector<16x1xi32>
          %gather3A_355 = vector.shape_cast %broadcast_in_dim3A_354 : vector<16x1xi32> to vector<16xi32>
          %gather3A_356 = tpu.dynamic_gather %get3A_145[%gather3A_355] in [0] : vector<16xf32>, vector<16xi32> -> vector<16xf32>
          %add3A_357 = arith.constant 11 : i32
          %add3A_358 = arith.addi %mul3A_148, %add3A_357 : i32
          %get3A_359 = arith.index_cast %add3A_358 : i32 to index
          %get3A_360 = arith.index_cast %mul3A_68 : i32 to index
          %get3A_361 = tpu.vector_load %arg6[%get3A_359, %get3A_360] {strides = array<i32>} : memref<256x128xf32, #tpu.memory_space<vmem>>, vector<1x16xf32>,
          %get3A_362 = vector.shape_cast %get3A_361 : vector<1x16xf32> to vector<16xf32>
          %mul3A_363 = arith.mulf %gather3A_356, %get3A_362 : vector<16xf32>
          %add3A_364 = arith.addf %add3A_220, %mul3A_363 : vector<16xf32>
          %lt3A_365 = arith.constant 0 : i32
          %lt3A_366 = vector.broadcast %lt3A_365 : i32 to vector<16xi32>
          %lt3A_367 = arith.cmpi slt, %broadcast_in_dim3A_44, %lt3A_366 : vector<16xi32>
          %add3A_368 = arith.constant 16 : i32
          %add3A_369 = vector.broadcast %add3A_368 : i32 to vector<16xi32>
          %add3A_370 = arith.addi %broadcast_in_dim3A_44, %add3A_369 : vector<16xi32>
          %select_n3A_371 = arith.select %lt3A_367, %add3A_370, %broadcast_in_dim3A_44 : vector<16xi1>, vector<16xi32>
          %broadcast_in_dim3A_372 = vector.shape_cast %select_n3A_371 : vector<16xi32> to vector<16x1xi32>
          %gather3A_373 = vector.shape_cast %broadcast_in_dim3A_372 : vector<16x1xi32> to vector<16xi32>
          %gather3A_374 = tpu.dynamic_gather %get3A_145[%gather3A_373] in [0] : vector<16xf32>, vector<16xi32> -> vector<16xf32>
          %add3A_375 = arith.constant 12 : i32
          %add3A_376 = arith.addi %mul3A_148, %add3A_375 : i32
          %get3A_377 = arith.index_cast %add3A_376 : i32 to index
          %get3A_378 = arith.index_cast %mul3A_68 : i32 to index
          %get3A_379 = tpu.vector_load %arg6[%get3A_377, %get3A_378] {strides = array<i32>} : memref<256x128xf32, #tpu.memory_space<vmem>>, vector<1x16xf32>,
          %get3A_380 = vector.shape_cast %get3A_379 : vector<1x16xf32> to vector<16xf32>
          %mul3A_381 = arith.mulf %gather3A_374, %get3A_380 : vector<16xf32>
          %add3A_382 = arith.addf %add3A_238, %mul3A_381 : vector<16xf32>
          %lt3A_383 = arith.constant 0 : i32
          %lt3A_384 = vector.broadcast %lt3A_383 : i32 to vector<16xi32>
          %lt3A_385 = arith.cmpi slt, %broadcast_in_dim3A_46, %lt3A_384 : vector<16xi32>
          %add3A_386 = arith.constant 16 : i32
          %add3A_387 = vector.broadcast %add3A_386 : i32 to vector<16xi32>
          %add3A_388 = arith.addi %broadcast_in_dim3A_46, %add3A_387 : vector<16xi32>
          %select_n3A_389 = arith.select %lt3A_385, %add3A_388, %broadcast_in_dim3A_46 : vector<16xi1>, vector<16xi32>
          %broadcast_in_dim3A_390 = vector.shape_cast %select_n3A_389 : vector<16xi32> to vector<16x1xi32>
          %gather3A_391 = vector.shape_cast %broadcast_in_dim3A_390 : vector<16x1xi32> to vector<16xi32>
          %gather3A_392 = tpu.dynamic_gather %get3A_145[%gather3A_391] in [0] : vector<16xf32>, vector<16xi32> -> vector<16xf32>
          %add3A_393 = arith.constant 13 : i32
          %add3A_394 = arith.addi %mul3A_148, %add3A_393 : i32
          %get3A_395 = arith.index_cast %add3A_394 : i32 to index
          %get3A_396 = arith.index_cast %mul3A_68 : i32 to index
          %get3A_397 = tpu.vector_load %arg6[%get3A_395, %get3A_396] {strides = array<i32>} : memref<256x128xf32, #tpu.memory_space<vmem>>, vector<1x16xf32>,
          %get3A_398 = vector.shape_cast %get3A_397 : vector<1x16xf32> to vector<16xf32>
          %mul3A_399 = arith.mulf %gather3A_392, %get3A_398 : vector<16xf32>
          %add3A_400 = arith.addf %add3A_256, %mul3A_399 : vector<16xf32>
          %lt3A_401 = arith.constant 0 : i32
          %lt3A_402 = vector.broadcast %lt3A_401 : i32 to vector<16xi32>
          %lt3A_403 = arith.cmpi slt, %broadcast_in_dim3A_48, %lt3A_402 : vector<16xi32>
          %add3A_404 = arith.constant 16 : i32
          %add3A_405 = vector.broadcast %add3A_404 : i32 to vector<16xi32>
          %add3A_406 = arith.addi %broadcast_in_dim3A_48, %add3A_405 : vector<16xi32>
          %select_n3A_407 = arith.select %lt3A_403, %add3A_406, %broadcast_in_dim3A_48 : vector<16xi1>, vector<16xi32>
          %broadcast_in_dim3A_408 = vector.shape_cast %select_n3A_407 : vector<16xi32> to vector<16x1xi32>
          %gather3A_409 = vector.shape_cast %broadcast_in_dim3A_408 : vector<16x1xi32> to vector<16xi32>
          %gather3A_410 = tpu.dynamic_gather %get3A_145[%gather3A_409] in [0] : vector<16xf32>, vector<16xi32> -> vector<16xf32>
          %add3A_411 = arith.constant 14 : i32
          %add3A_412 = arith.addi %mul3A_148, %add3A_411 : i32
          %get3A_413 = arith.index_cast %add3A_412 : i32 to index
          %get3A_414 = arith.index_cast %mul3A_68 : i32 to index
          %get3A_415 = tpu.vector_load %arg6[%get3A_413, %get3A_414] {strides = array<i32>} : memref<256x128xf32, #tpu.memory_space<vmem>>, vector<1x16xf32>,
          %get3A_416 = vector.shape_cast %get3A_415 : vector<1x16xf32> to vector<16xf32>
          %mul3A_417 = arith.mulf %gather3A_410, %get3A_416 : vector<16xf32>
          %add3A_418 = arith.addf %add3A_274, %mul3A_417 : vector<16xf32>
          %lt3A_419 = arith.constant 0 : i32
          %lt3A_420 = vector.broadcast %lt3A_419 : i32 to vector<16xi32>
          %lt3A_421 = arith.cmpi slt, %broadcast_in_dim3A_50, %lt3A_420 : vector<16xi32>
          %add3A_422 = arith.constant 16 : i32
          %add3A_423 = vector.broadcast %add3A_422 : i32 to vector<16xi32>
          %add3A_424 = arith.addi %broadcast_in_dim3A_50, %add3A_423 : vector<16xi32>
          %select_n3A_425 = arith.select %lt3A_421, %add3A_424, %broadcast_in_dim3A_50 : vector<16xi1>, vector<16xi32>
          %broadcast_in_dim3A_426 = vector.shape_cast %select_n3A_425 : vector<16xi32> to vector<16x1xi32>
          %gather3A_427 = vector.shape_cast %broadcast_in_dim3A_426 : vector<16x1xi32> to vector<16xi32>
          %gather3A_428 = tpu.dynamic_gather %get3A_145[%gather3A_427] in [0] : vector<16xf32>, vector<16xi32> -> vector<16xf32>
          %add3A_429 = arith.constant 15 : i32
          %add3A_430 = arith.addi %mul3A_148, %add3A_429 : i32
          %get3A_431 = arith.index_cast %add3A_430 : i32 to index
          %get3A_432 = arith.index_cast %mul3A_68 : i32 to index
          %get3A_433 = tpu.vector_load %arg6[%get3A_431, %get3A_432] {strides = array<i32>} : memref<256x128xf32, #tpu.memory_space<vmem>>, vector<1x16xf32>,
          %get3A_434 = vector.shape_cast %get3A_433 : vector<1x16xf32> to vector<16xf32>
          %mul3A_435 = arith.mulf %gather3A_428, %get3A_434 : vector<16xf32>
          %add3A_436 = arith.addf %add3A_292, %mul3A_435 : vector<16xf32>
          scf.yield %add3A_146, %add3A_310, %add3A_328, %add3A_346, %add3A_364, %add3A_382, %add3A_400, %add3A_418, %add3A_436 : vector<16xf32>, vector<16xf32>, vector<16xf32>, vector<16xf32>, vector<16xf32>, vector<16xf32>, vector<16xf32>, vector<16xf32>, vector<16xf32>
        }
        %scan3A_74 = arith.constant 16 : i32
        %lt3A = arith.constant 0 : i32
        %lt3A_75 = vector.broadcast %lt3A : i32 to vector<16xi32>
        %lt3A_76 = arith.cmpi slt, %xor3A_10, %lt3A_75 : vector<16xi32>
        %add3A_77 = arith.constant 16 : i32
        %add3A_78 = vector.broadcast %add3A_77 : i32 to vector<16xi32>
        %add3A_79 = arith.addi %xor3A_10, %add3A_78 : vector<16xi32>
        %select_n3A = arith.select %lt3A_76, %add3A_79, %xor3A_10 : vector<16xi1>, vector<16xi32>
        %broadcast_in_dim3A_80 = vector.shape_cast %select_n3A : vector<16xi32> to vector<16x1xi32>
        %gather3A = vector.shape_cast %broadcast_in_dim3A_80 : vector<16x1xi32> to vector<16xi32>
        %gather3A_81 = tpu.dynamic_gather %scan3A_73#0[%gather3A] in [0] : vector<16xf32>, vector<16xi32> -> vector<16xf32>
        %add3A_82 = arith.addf %scan3A_73#0, %gather3A_81 : vector<16xf32>
        %lt3A_83 = arith.constant 0 : i32
        %lt3A_84 = vector.broadcast %lt3A_83 : i32 to vector<16xi32>
        %lt3A_85 = arith.cmpi slt, %xor3A_13, %lt3A_84 : vector<16xi32>
        %add3A_86 = arith.constant 16 : i32
        %add3A_87 = vector.broadcast %add3A_86 : i32 to vector<16xi32>
        %add3A_88 = arith.addi %xor3A_13, %add3A_87 : vector<16xi32>
        %select_n3A_89 = arith.select %lt3A_85, %add3A_88, %xor3A_13 : vector<16xi1>, vector<16xi32>
        %broadcast_in_dim3A_90 = vector.shape_cast %select_n3A_89 : vector<16xi32> to vector<16x1xi32>
        %gather3A_91 = vector.shape_cast %broadcast_in_dim3A_90 : vector<16x1xi32> to vector<16xi32>
        %gather3A_92 = tpu.dynamic_gather %add3A_82[%gather3A_91] in [0] : vector<16xf32>, vector<16xi32> -> vector<16xf32>
        %add3A_93 = arith.addf %add3A_82, %gather3A_92 : vector<16xf32>
        %lt3A_94 = arith.constant 0 : i32
        %lt3A_95 = vector.broadcast %lt3A_94 : i32 to vector<16xi32>
        %lt3A_96 = arith.cmpi slt, %xor3A_16, %lt3A_95 : vector<16xi32>
        %add3A_97 = arith.constant 16 : i32
        %add3A_98 = vector.broadcast %add3A_97 : i32 to vector<16xi32>
        %add3A_99 = arith.addi %xor3A_16, %add3A_98 : vector<16xi32>
        %select_n3A_100 = arith.select %lt3A_96, %add3A_99, %xor3A_16 : vector<16xi1>, vector<16xi32>
        %broadcast_in_dim3A_101 = vector.shape_cast %select_n3A_100 : vector<16xi32> to vector<16x1xi32>
        %gather3A_102 = vector.shape_cast %broadcast_in_dim3A_101 : vector<16x1xi32> to vector<16xi32>
        %gather3A_103 = tpu.dynamic_gather %add3A_93[%gather3A_102] in [0] : vector<16xf32>, vector<16xi32> -> vector<16xf32>
        %add3A_104 = arith.addf %add3A_93, %gather3A_103 : vector<16xf32>
        %lt3A_105 = arith.constant 0 : i32
        %lt3A_106 = vector.broadcast %lt3A_105 : i32 to vector<16xi32>
        %lt3A_107 = arith.cmpi slt, %xor3A_19, %lt3A_106 : vector<16xi32>
        %add3A_108 = arith.constant 16 : i32
        %add3A_109 = vector.broadcast %add3A_108 : i32 to vector<16xi32>
        %add3A_110 = arith.addi %xor3A_19, %add3A_109 : vector<16xi32>
        %select_n3A_111 = arith.select %lt3A_107, %add3A_110, %xor3A_19 : vector<16xi1>, vector<16xi32>
        %broadcast_in_dim3A_112 = vector.shape_cast %select_n3A_111 : vector<16xi32> to vector<16x1xi32>
        %gather3A_113 = vector.shape_cast %broadcast_in_dim3A_112 : vector<16x1xi32> to vector<16xi32>
        %gather3A_114 = tpu.dynamic_gather %add3A_104[%gather3A_113] in [0] : vector<16xf32>, vector<16xi32> -> vector<16xf32>
        %add3A_115 = arith.addf %add3A_104, %gather3A_114 : vector<16xf32>
        %div3A = arith.constant 1.000000e+00 : f32
        %div3A_116 = vector.broadcast %div3A : f32 to vector<16xf32>
        %div3A_117 = arith.divf %div3A_116, %add3A_115 : vector<16xf32>
        %add3A_118 = arith.addf %scan3A_73#1, %scan3A_73#2 : vector<16xf32>
        %add3A_119 = arith.addf %scan3A_73#3, %scan3A_73#4 : vector<16xf32>
        %add3A_120 = arith.addf %scan3A_73#5, %scan3A_73#6 : vector<16xf32>
        %add3A_121 = arith.addf %scan3A_73#7, %scan3A_73#8 : vector<16xf32>
        %add3A_122 = arith.addf %add3A_118, %add3A_119 : vector<16xf32>
        %add3A_123 = arith.addf %add3A_120, %add3A_121 : vector<16xf32>
        %add3A_124 = arith.addf %add3A_122, %add3A_123 : vector<16xf32>
        %mul3A_125 = arith.mulf %add3A_124, %div3A_117 : vector<16xf32>
        %swap3A = arith.index_cast %scan3A_58 : i32 to index
        %swap3A_126 = arith.index_cast %mul3A_68 : i32 to index
        %swap3A_127 = tpu.vector_load %arg7[%swap3A, %swap3A_126] {strides = array<i32>} : memref<8x128xf32, #tpu.memory_space<vmem>>, vector<1x16xf32>,
        %swap3A_128 = vector.shape_cast %swap3A_127 : vector<1x16xf32> to vector<16xf32>
        %swap3A_129 = vector.shape_cast %mul3A_125 : vector<16xf32> to vector<1x16xf32>
        tpu.vector_store %arg7[%swap3A, %swap3A_126], %swap3A_129 {strides = array<i32>} : memref<8x128xf32, #tpu.memory_space<vmem>>, vector<1x16xf32>,
      }
      %scan3A_63 = arith.constant 8 : i32
    }
    %scan3A_57 = arith.constant 8 : i32
    "tpu.region"() ({
      %run_scoped3A = tpu.sem_alloc : memref<!tpu.dma_semaphore, #tpu.memory_space<semaphore_mem>>
      %dma_start3A_58 = arith.constant 0 : i32
      %dma_start3A_59 = tpu.memref_slice %arg4[%mul3A_2, %dma_start3A_58] : memref<256x128xf32, #tpu.memory_space<hbm>> -> memref<8x128xf32, #tpu.memory_space<hbm>>
      %dma_start3A_60 = arith.constant 0 : i32
      %dma_start3A_61 = tpu.memref_slice %arg4[%mul3A_2, %dma_start3A_60] : memref<256x128xf32, #tpu.memory_space<hbm>> -> memref<8x128xf32, #tpu.memory_space<hbm>>
      tpu.enqueue_dma source(%arg7 : memref<8x128xf32, #tpu.memory_space<vmem>>) target(%dma_start3A_61 : memref<8x128xf32, #tpu.memory_space<hbm>>) target_semaphore(%run_scoped3A : memref<!tpu.dma_semaphore, #tpu.memory_space<semaphore_mem>>)
      %dma_wait3A_62 = arith.constant 0 : i32
      %dma_wait3A_63 = tpu.memref_slice %arg4[%mul3A_2, %dma_wait3A_62] : memref<256x128xf32, #tpu.memory_space<hbm>> -> memref<8x128xf32, #tpu.memory_space<hbm>>
      %dma_wait3A_64 = arith.constant 0 : i32
      %dma_wait3A_65 = tpu.memref_slice %arg4[%mul3A_2, %dma_wait3A_64] : memref<256x128xf32, #tpu.memory_space<hbm>> -> memref<8x128xf32, #tpu.memory_space<hbm>>
      tpu.wait_dma2 semaphore(%run_scoped3A : memref<!tpu.dma_semaphore, #tpu.memory_space<semaphore_mem>>) src(%arg7 : memref<8x128xf32, #tpu.memory_space<vmem>>) dst(%dma_wait3A_65 : memref<8x128xf32, #tpu.memory_space<hbm>>)
      tpu.yield
    }) : () -> ()
    return
  }
}

module attributes {stable_mosaic.version = 14 : i64} {
  func.func @_tc2_body(%arg0: memref<256x128xf32, #tpu.memory_space<vmem>>, %arg1: memref<256x1xf32, #tpu.memory_space<vmem>>, %arg2: memref<128x128xf32, #tpu.memory_space<vmem>>, %arg3: memref<1x128xf32, #tpu.memory_space<vmem>>, %arg4: memref<256x128xf32, #tpu.memory_space<vmem>>) attributes {dimension_semantics = [], scalar_prefetch = 0 : i64, scratch_operands = 0 : i64, tpu.core_type = #tpu.core_type<tc>} {
    %get3A = arith.constant 0 : index
    %get3A_0 = arith.constant 0 : index
    %get3A_1 = vector.load %arg0[%get3A, %get3A_0] : memref<256x128xf32, #tpu.memory_space<vmem>>, vector<256x128xf32>
    %get3A_2 = arith.constant 0 : index
    %get3A_3 = arith.constant 0 : index
    %get3A_4 = vector.load %arg2[%get3A_2, %get3A_3] : memref<128x128xf32, #tpu.memory_space<vmem>>, vector<128x128xf32>
    %dot_general3A = arith.constant dense<0.000000e+00> : vector<256x128xf32>
    %dot_general3A_5 = tpu.matmul %get3A_1, %get3A_4, %dot_general3A {dimension_numbers = #tpu.dot_dimension_numbers<[1], [1], [0], [0], [0, 0, 1, 0], [], []>, transpose_lhs_hint = false} : vector<256x128xf32>, vector<128x128xf32>, vector<256x128xf32> -> vector<256x128xf32>
    %get3A_6 = arith.constant 0 : index
    %get3A_7 = arith.constant 0 : index
    %get3A_8 = vector.load %arg3[%get3A_6, %get3A_7] : memref<1x128xf32, #tpu.memory_space<vmem>>, vector<1x128xf32>
    %add3A = vector.broadcast %get3A_8 : vector<1x128xf32> to vector<256x128xf32>
    %add3A_9 = arith.addf %dot_general3A_5, %add3A : vector<256x128xf32>
    %get3A_10 = arith.constant 0 : index
    %get3A_11 = arith.constant 0 : index
    %get3A_12 = vector.load %arg1[%get3A_10, %get3A_11] : memref<256x1xf32, #tpu.memory_space<vmem>>, vector<256x1xf32>
    %gt3A = arith.constant 0.000000e+00 : f32
    %gt3A_13 = vector.broadcast %gt3A : f32 to vector<256x1xf32>
    %gt3A_14 = arith.cmpf ogt, %get3A_12, %gt3A_13 : vector<256x1xf32>
    %jit3A = arith.constant 0.000000e+00 : f32
    %broadcast_in_dim3A = vector.shape_cast %gt3A_14 : vector<256x1xi1> to vector<256x1xi1>
    %broadcast_in_dim3A_15 = vector.broadcast %broadcast_in_dim3A : vector<256x1xi1> to vector<256x128xi1>
    %broadcast_in_dim3A_16 = vector.broadcast %jit3A : f32 to vector<256x128xf32>
    %select_n3A = arith.select %broadcast_in_dim3A_15, %add3A_9, %broadcast_in_dim3A_16 : vector<256x128xi1>, vector<256x128xf32>
    %max3A = arith.constant 0.000000e+00 : f32
    %max3A_17 = vector.broadcast %max3A : f32 to vector<256x128xf32>
    %max3A_18 = arith.maximumf %select_n3A, %max3A_17 : vector<256x128xf32>
    %swap3A = arith.constant 0 : index
    %swap3A_19 = arith.constant 0 : index
    %swap3A_20 = vector.load %arg4[%swap3A, %swap3A_19] : memref<256x128xf32, #tpu.memory_space<vmem>>, vector<256x128xf32>
    tpu.vector_store %arg4[%swap3A, %swap3A_19], %max3A_18 {strides = array<i32>} : memref<256x128xf32, #tpu.memory_space<vmem>>, vector<256x128xf32>,
    return
  }
}

module attributes {stable_mosaic.version = 14 : i64} {
  func.func @_tc1_body(%arg0: memref<256x128xf32, #tpu.memory_space<vmem>>, %arg1: memref<32x256xi32, #tpu.memory_space<vmem>>, %arg2: memref<16x32xf32, #tpu.memory_space<vmem>>, %arg3: memref<128x128xf32, #tpu.memory_space<vmem>>, %arg4: memref<16x128xf32, #tpu.memory_space<vmem>>, %arg5: memref<384x128xf32, #tpu.memory_space<vmem>>, %arg6: memref<3x128xf32, #tpu.memory_space<vmem>>, %arg7: memref<256x2048xf32, #tpu.memory_space<vmem>>, %arg8: memref<256x128xf32, #tpu.memory_space<vmem>>, %arg9: memref<256x1xf32, #tpu.memory_space<vmem>>) attributes {dimension_semantics = [], scalar_prefetch = 0 : i64, scratch_operands = 0 : i64, tpu.core_type = #tpu.core_type<tc>} {
    %get3A = arith.constant 0 : index
    %get3A_0 = arith.constant 0 : index
    %get3A_1 = vector.load %arg1[%get3A, %get3A_0] : memref<32x256xi32, #tpu.memory_space<vmem>>, vector<32x256xi32>
    %ne3A = arith.constant 0 : i32
    %ne3A_2 = vector.broadcast %ne3A : i32 to vector<32x256xi32>
    %ne3A_3 = arith.cmpi ne, %get3A_1, %ne3A_2 : vector<32x256xi32>
    %convert_element_type3A = arith.extui %ne3A_3 : vector<32x256xi1> to vector<32x256xi32>
    %convert_element_type3A_4 = arith.sitofp %convert_element_type3A : vector<32x256xi32> to vector<32x256xf32>
    %transpose3A = tpu.transpose %convert_element_type3A_4, [1, 0] : vector<32x256xf32> -> vector<256x32xf32>
    %get3A_5 = arith.constant 0 : index
    %get3A_6 = arith.constant 0 : index
    %get3A_7 = vector.load %arg0[%get3A_5, %get3A_6] : memref<256x128xf32, #tpu.memory_space<vmem>>, vector<256x128xf32>
    %get3A_8 = arith.constant 0 : index
    %get3A_9 = arith.constant 0 : index
    %get3A_10 = vector.load %arg3[%get3A_8, %get3A_9] : memref<128x128xf32, #tpu.memory_space<vmem>>, vector<128x128xf32>
    %dot_general3A = arith.constant dense<0.000000e+00> : vector<256x128xf32>
    %dot_general3A_11 = tpu.matmul %get3A_7, %get3A_10, %dot_general3A {dimension_numbers = #tpu.dot_dimension_numbers<[1], [1], [0], [0], [0, 0, 1, 0], [], []>, transpose_lhs_hint = false} : vector<256x128xf32>, vector<128x128xf32>, vector<256x128xf32> -> vector<256x128xf32>
    %get3A_12 = arith.constant 0 : index
    %get3A_13 = arith.constant 0 : index
    %get3A_14 = vector.load %arg2[%get3A_12, %get3A_13] : memref<16x32xf32, #tpu.memory_space<vmem>>, vector<16x32xf32>
    %get3A_15 = arith.constant 0 : index
    %get3A_16 = arith.constant 0 : index
    %get3A_17 = vector.load %arg4[%get3A_15, %get3A_16] : memref<16x128xf32, #tpu.memory_space<vmem>>, vector<16x128xf32>
    %dot_general3A_18 = arith.constant dense<0.000000e+00> : vector<32x128xf32>
    %dot_general3A_19 = tpu.matmul %get3A_14, %get3A_17, %dot_general3A_18 {dimension_numbers = #tpu.dot_dimension_numbers<[0], [0], [1], [1], [0, 1, 1, 1], [], []>, transpose_lhs_hint = false} : vector<16x32xf32>, vector<16x128xf32>, vector<32x128xf32> -> vector<32x128xf32>
    %get3A_20 = arith.constant 0 : index
    %get3A_21 = arith.constant 0 : index
    %get3A_22 = vector.load %arg5[%get3A_20, %get3A_21] : memref<384x128xf32, #tpu.memory_space<vmem>>, vector<384x128xf32>
    %slice3A = vector.extract_strided_slice %get3A_22 {offsets = [0, 0], sizes = [128, 128], strides = [1, 1]} : vector<384x128xf32> to vector<128x128xf32>
    %slice3A_23 = vector.extract_strided_slice %get3A_22 {offsets = [128, 0], sizes = [128, 128], strides = [1, 1]} : vector<384x128xf32> to vector<128x128xf32>
    %slice3A_24 = vector.extract_strided_slice %get3A_22 {offsets = [256, 0], sizes = [128, 128], strides = [1, 1]} : vector<384x128xf32> to vector<128x128xf32>
    %get3A_25 = arith.constant 0 : index
    %get3A_26 = arith.constant 0 : index
    %get3A_27 = vector.load %arg6[%get3A_25, %get3A_26] : memref<3x128xf32, #tpu.memory_space<vmem>>, vector<1x128xf32>
    %get3A_28 = arith.constant 1 : index
    %get3A_29 = arith.constant 0 : index
    %get3A_30 = vector.load %arg6[%get3A_28, %get3A_29] : memref<3x128xf32, #tpu.memory_space<vmem>>, vector<1x128xf32>
    %get3A_31 = arith.constant 2 : index
    %get3A_32 = arith.constant 0 : index
    %get3A_33 = vector.load %arg6[%get3A_31, %get3A_32] : memref<3x128xf32, #tpu.memory_space<vmem>>, vector<1x128xf32>
    %dot_general3A_34 = arith.constant dense<0.000000e+00> : vector<256x128xf32>
    %dot_general3A_35 = tpu.matmul %dot_general3A_11, %slice3A, %dot_general3A_34 {dimension_numbers = #tpu.dot_dimension_numbers<[1], [1], [0], [0], [0, 0, 1, 0], [], []>, transpose_lhs_hint = false} : vector<256x128xf32>, vector<128x128xf32>, vector<256x128xf32> -> vector<256x128xf32>
    %add3A = vector.broadcast %get3A_27 : vector<1x128xf32> to vector<256x128xf32>
    %add3A_36 = arith.addf %dot_general3A_35, %add3A : vector<256x128xf32>
    %dot_general3A_37 = arith.constant dense<0.000000e+00> : vector<256x128xf32>
    %dot_general3A_38 = tpu.matmul %dot_general3A_11, %slice3A_23, %dot_general3A_37 {dimension_numbers = #tpu.dot_dimension_numbers<[1], [1], [0], [0], [0, 0, 1, 0], [], []>, transpose_lhs_hint = false} : vector<256x128xf32>, vector<128x128xf32>, vector<256x128xf32> -> vector<256x128xf32>
    %dot_general3A_39 = arith.constant dense<0.000000e+00> : vector<256x128xf32>
    %dot_general3A_40 = tpu.matmul %dot_general3A_11, %slice3A_24, %dot_general3A_39 {dimension_numbers = #tpu.dot_dimension_numbers<[1], [1], [0], [0], [0, 0, 1, 0], [], []>, transpose_lhs_hint = false} : vector<256x128xf32>, vector<128x128xf32>, vector<256x128xf32> -> vector<256x128xf32>
    %add3A_41 = vector.broadcast %get3A_33 : vector<1x128xf32> to vector<256x128xf32>
    %add3A_42 = arith.addf %dot_general3A_40, %add3A_41 : vector<256x128xf32>
    %dot_general3A_43 = arith.constant dense<0.000000e+00> : vector<32x128xf32>
    %dot_general3A_44 = tpu.matmul %dot_general3A_19, %slice3A_23, %dot_general3A_43 {dimension_numbers = #tpu.dot_dimension_numbers<[1], [1], [0], [0], [0, 0, 1, 0], [], []>, transpose_lhs_hint = false} : vector<32x128xf32>, vector<128x128xf32>, vector<32x128xf32> -> vector<32x128xf32>
    %add3A_45 = vector.broadcast %get3A_30 : vector<1x128xf32> to vector<32x128xf32>
    %add3A_46 = arith.addf %dot_general3A_44, %add3A_45 : vector<32x128xf32>
    %dot_general3A_47 = arith.constant dense<0.000000e+00> : vector<256x256xf32>
    %dot_general3A_48 = tpu.matmul %transpose3A, %transpose3A, %dot_general3A_47 {dimension_numbers = #tpu.dot_dimension_numbers<[1], [1], [0], [0], [0, 0, 1, 0], [], []>, transpose_lhs_hint = false} : vector<256x32xf32>, vector<256x32xf32>, vector<256x256xf32> -> vector<256x256xf32>
    %reduce_sum3A = arith.constant dense<0.000000e+00> : vector<256xf32>
    %reduce_sum3A_49 = vector.multi_reduction <add>, %transpose3A, %reduce_sum3A [1] : vector<256x32xf32> to vector<256xf32>
    %broadcast_in_dim3A = vector.shape_cast %reduce_sum3A_49 : vector<256xf32> to vector<256x1xf32>
    %gt3A = arith.constant 0.000000e+00 : f32
    %gt3A_50 = vector.broadcast %gt3A : f32 to vector<256x1xf32>
    %gt3A_51 = arith.cmpf ogt, %broadcast_in_dim3A, %gt3A_50 : vector<256x1xf32>
    %convert_element_type3A_52 = arith.extui %gt3A_51 : vector<256x1xi1> to vector<256x1xi32>
    %convert_element_type3A_53 = arith.sitofp %convert_element_type3A_52 : vector<256x1xi32> to vector<256x1xf32>
    %swap3A = arith.constant 0 : index
    %swap3A_54 = arith.constant 0 : index
    %swap3A_55 = vector.load %arg9[%swap3A, %swap3A_54] : memref<256x1xf32, #tpu.memory_space<vmem>>, vector<256x1xf32>
    tpu.vector_store %arg9[%swap3A, %swap3A_54], %convert_element_type3A_53 {strides = array<i32>} : memref<256x1xf32, #tpu.memory_space<vmem>>, vector<256x1xf32>,
    %slice3A_56 = vector.extract_strided_slice %add3A_36 {offsets = [0, 0], sizes = [256, 16], strides = [1, 1]} : vector<256x128xf32> to vector<256x16xf32>
    %slice3A_57 = vector.extract_strided_slice %dot_general3A_38 {offsets = [0, 0], sizes = [256, 16], strides = [1, 1]} : vector<256x128xf32> to vector<256x16xf32>
    %slice3A_58 = vector.extract_strided_slice %add3A_46 {offsets = [0, 0], sizes = [32, 16], strides = [1, 1]} : vector<32x128xf32> to vector<32x16xf32>
    %dot_general3A_59 = arith.constant dense<0.000000e+00> : vector<256x256xf32>
    %dot_general3A_60 = tpu.matmul %slice3A_56, %slice3A_57, %dot_general3A_59 {dimension_numbers = #tpu.dot_dimension_numbers<[1], [1], [0], [0], [0, 0, 1, 0], [], []>, transpose_lhs_hint = false} : vector<256x16xf32>, vector<256x16xf32>, vector<256x256xf32> -> vector<256x256xf32>
    %mul3A = arith.constant 2.500000e-01 : f32
    %mul3A_61 = vector.broadcast %mul3A : f32 to vector<256x256xf32>
    %mul3A_62 = arith.mulf %dot_general3A_60, %mul3A_61 : vector<256x256xf32>
    %gt3A_63 = arith.constant 0.000000e+00 : f32
    %gt3A_64 = vector.broadcast %gt3A_63 : f32 to vector<256x256xf32>
    %gt3A_65 = arith.cmpf ogt, %dot_general3A_48, %gt3A_64 : vector<256x256xf32>
    %jit3A = arith.constant -1.000000e+30 : f32
    %broadcast_in_dim3A_66 = vector.broadcast %jit3A : f32 to vector<256x256xf32>
    %select_n3A = arith.select %gt3A_65, %mul3A_62, %broadcast_in_dim3A_66 : vector<256x256xi1>, vector<256x256xf32>
    %reduce_max3A = arith.constant dense<0xFF800000> : vector<256xf32>
    %reduce_max3A_67 = vector.multi_reduction <maximumf>, %select_n3A, %reduce_max3A [1] : vector<256x256xf32> to vector<256xf32>
    %broadcast_in_dim3A_68 = vector.shape_cast %reduce_max3A_67 : vector<256xf32> to vector<256x1xf32>
    %gt3A_69 = arith.constant 0.000000e+00 : f32
    %gt3A_70 = vector.broadcast %gt3A_69 : f32 to vector<256x256xf32>
    %gt3A_71 = arith.cmpf ogt, %dot_general3A_48, %gt3A_70 : vector<256x256xf32>
    %sub3A = vector.broadcast %broadcast_in_dim3A_68 : vector<256x1xf32> to vector<256x256xf32>
    %sub3A_72 = arith.subf %mul3A_62, %sub3A : vector<256x256xf32>
    %exp3A = math.exp %sub3A_72 : vector<256x256xf32>
    %jit3A_73 = arith.constant 0.000000e+00 : f32
    %broadcast_in_dim3A_74 = vector.broadcast %jit3A_73 : f32 to vector<256x256xf32>
    %select_n3A_75 = arith.select %gt3A_71, %exp3A, %broadcast_in_dim3A_74 : vector<256x256xi1>, vector<256x256xf32>
    %dot_general3A_76 = arith.constant dense<0.000000e+00> : vector<256x32xf32>
    %dot_general3A_77 = tpu.matmul %slice3A_56, %slice3A_58, %dot_general3A_76 {dimension_numbers = #tpu.dot_dimension_numbers<[1], [1], [0], [0], [0, 0, 1, 0], [], []>, transpose_lhs_hint = false} : vector<256x16xf32>, vector<32x16xf32>, vector<256x32xf32> -> vector<256x32xf32>
    %mul3A_78 = arith.constant 2.500000e-01 : f32
    %mul3A_79 = vector.broadcast %mul3A_78 : f32 to vector<256x32xf32>
    %mul3A_80 = arith.mulf %dot_general3A_77, %mul3A_79 : vector<256x32xf32>
    %gt3A_81 = arith.constant 0.000000e+00 : f32
    %gt3A_82 = vector.broadcast %gt3A_81 : f32 to vector<256x32xf32>
    %gt3A_83 = arith.cmpf ogt, %transpose3A, %gt3A_82 : vector<256x32xf32>
    %jit3A_84 = arith.constant -1.000000e+30 : f32
    %broadcast_in_dim3A_85 = vector.broadcast %jit3A_84 : f32 to vector<256x32xf32>
    %select_n3A_86 = arith.select %gt3A_83, %mul3A_80, %broadcast_in_dim3A_85 : vector<256x32xi1>, vector<256x32xf32>
    %reduce_max3A_87 = arith.constant dense<0xFF800000> : vector<256xf32>
    %reduce_max3A_88 = vector.multi_reduction <maximumf>, %select_n3A_86, %reduce_max3A_87 [1] : vector<256x32xf32> to vector<256xf32>
    %broadcast_in_dim3A_89 = vector.shape_cast %reduce_max3A_88 : vector<256xf32> to vector<256x1xf32>
    %gt3A_90 = arith.constant 0.000000e+00 : f32
    %gt3A_91 = vector.broadcast %gt3A_90 : f32 to vector<256x32xf32>
    %gt3A_92 = arith.cmpf ogt, %transpose3A, %gt3A_91 : vector<256x32xf32>
    %sub3A_93 = vector.broadcast %broadcast_in_dim3A_89 : vector<256x1xf32> to vector<256x32xf32>
    %sub3A_94 = arith.subf %mul3A_80, %sub3A_93 : vector<256x32xf32>
    %exp3A_95 = math.exp %sub3A_94 : vector<256x32xf32>
    %jit3A_96 = arith.constant 0.000000e+00 : f32
    %broadcast_in_dim3A_97 = vector.broadcast %jit3A_96 : f32 to vector<256x32xf32>
    %select_n3A_98 = arith.select %gt3A_92, %exp3A_95, %broadcast_in_dim3A_97 : vector<256x32xi1>, vector<256x32xf32>
    %dot_general3A_99 = arith.constant dense<0.000000e+00> : vector<256x256xf32>
    %dot_general3A_100 = tpu.matmul %select_n3A_98, %convert_element_type3A_4, %dot_general3A_99 {dimension_numbers = #tpu.dot_dimension_numbers<[1], [0], [0], [1], [0, 0, 1, 1], [], []>, transpose_lhs_hint = false} : vector<256x32xf32>, vector<32x256xf32>, vector<256x256xf32> -> vector<256x256xf32>
    %mul3A_101 = arith.mulf %select_n3A_75, %dot_general3A_100 : vector<256x256xf32>
    %swap3A_102 = arith.constant 0 : index
    %swap3A_103 = arith.constant 0 : index
    %swap3A_104 = vector.load %arg7[%swap3A_102, %swap3A_103] : memref<256x2048xf32, #tpu.memory_space<vmem>>, vector<256x256xf32>
    tpu.vector_store %arg7[%swap3A_102, %swap3A_103], %mul3A_101 {strides = array<i32>} : memref<256x2048xf32, #tpu.memory_space<vmem>>, vector<256x256xf32>,
    %slice3A_105 = vector.extract_strided_slice %add3A_36 {offsets = [0, 16], sizes = [256, 16], strides = [1, 1]} : vector<256x128xf32> to vector<256x16xf32>
    %slice3A_106 = vector.extract_strided_slice %dot_general3A_38 {offsets = [0, 16], sizes = [256, 16], strides = [1, 1]} : vector<256x128xf32> to vector<256x16xf32>
    %slice3A_107 = vector.extract_strided_slice %add3A_46 {offsets = [0, 16], sizes = [32, 16], strides = [1, 1]} : vector<32x128xf32> to vector<32x16xf32>
    %dot_general3A_108 = arith.constant dense<0.000000e+00> : vector<256x256xf32>
    %dot_general3A_109 = tpu.matmul %slice3A_105, %slice3A_106, %dot_general3A_108 {dimension_numbers = #tpu.dot_dimension_numbers<[1], [1], [0], [0], [0, 0, 1, 0], [], []>, transpose_lhs_hint = false} : vector<256x16xf32>, vector<256x16xf32>, vector<256x256xf32> -> vector<256x256xf32>
    %mul3A_110 = arith.constant 2.500000e-01 : f32
    %mul3A_111 = vector.broadcast %mul3A_110 : f32 to vector<256x256xf32>
    %mul3A_112 = arith.mulf %dot_general3A_109, %mul3A_111 : vector<256x256xf32>
    %gt3A_113 = arith.constant 0.000000e+00 : f32
    %gt3A_114 = vector.broadcast %gt3A_113 : f32 to vector<256x256xf32>
    %gt3A_115 = arith.cmpf ogt, %dot_general3A_48, %gt3A_114 : vector<256x256xf32>
    %jit3A_116 = arith.constant -1.000000e+30 : f32
    %broadcast_in_dim3A_117 = vector.broadcast %jit3A_116 : f32 to vector<256x256xf32>
    %select_n3A_118 = arith.select %gt3A_115, %mul3A_112, %broadcast_in_dim3A_117 : vector<256x256xi1>, vector<256x256xf32>
    %reduce_max3A_119 = arith.constant dense<0xFF800000> : vector<256xf32>
    %reduce_max3A_120 = vector.multi_reduction <maximumf>, %select_n3A_118, %reduce_max3A_119 [1] : vector<256x256xf32> to vector<256xf32>
    %broadcast_in_dim3A_121 = vector.shape_cast %reduce_max3A_120 : vector<256xf32> to vector<256x1xf32>
    %gt3A_122 = arith.constant 0.000000e+00 : f32
    %gt3A_123 = vector.broadcast %gt3A_122 : f32 to vector<256x256xf32>
    %gt3A_124 = arith.cmpf ogt, %dot_general3A_48, %gt3A_123 : vector<256x256xf32>
    %sub3A_125 = vector.broadcast %broadcast_in_dim3A_121 : vector<256x1xf32> to vector<256x256xf32>
    %sub3A_126 = arith.subf %mul3A_112, %sub3A_125 : vector<256x256xf32>
    %exp3A_127 = math.exp %sub3A_126 : vector<256x256xf32>
    %jit3A_128 = arith.constant 0.000000e+00 : f32
    %broadcast_in_dim3A_129 = vector.broadcast %jit3A_128 : f32 to vector<256x256xf32>
    %select_n3A_130 = arith.select %gt3A_124, %exp3A_127, %broadcast_in_dim3A_129 : vector<256x256xi1>, vector<256x256xf32>
    %dot_general3A_131 = arith.constant dense<0.000000e+00> : vector<256x32xf32>
    %dot_general3A_132 = tpu.matmul %slice3A_105, %slice3A_107, %dot_general3A_131 {dimension_numbers = #tpu.dot_dimension_numbers<[1], [1], [0], [0], [0, 0, 1, 0], [], []>, transpose_lhs_hint = false} : vector<256x16xf32>, vector<32x16xf32>, vector<256x32xf32> -> vector<256x32xf32>
    %mul3A_133 = arith.constant 2.500000e-01 : f32
    %mul3A_134 = vector.broadcast %mul3A_133 : f32 to vector<256x32xf32>
    %mul3A_135 = arith.mulf %dot_general3A_132, %mul3A_134 : vector<256x32xf32>
    %gt3A_136 = arith.constant 0.000000e+00 : f32
    %gt3A_137 = vector.broadcast %gt3A_136 : f32 to vector<256x32xf32>
    %gt3A_138 = arith.cmpf ogt, %transpose3A, %gt3A_137 : vector<256x32xf32>
    %jit3A_139 = arith.constant -1.000000e+30 : f32
    %broadcast_in_dim3A_140 = vector.broadcast %jit3A_139 : f32 to vector<256x32xf32>
    %select_n3A_141 = arith.select %gt3A_138, %mul3A_135, %broadcast_in_dim3A_140 : vector<256x32xi1>, vector<256x32xf32>
    %reduce_max3A_142 = arith.constant dense<0xFF800000> : vector<256xf32>
    %reduce_max3A_143 = vector.multi_reduction <maximumf>, %select_n3A_141, %reduce_max3A_142 [1] : vector<256x32xf32> to vector<256xf32>
    %broadcast_in_dim3A_144 = vector.shape_cast %reduce_max3A_143 : vector<256xf32> to vector<256x1xf32>
    %gt3A_145 = arith.constant 0.000000e+00 : f32
    %gt3A_146 = vector.broadcast %gt3A_145 : f32 to vector<256x32xf32>
    %gt3A_147 = arith.cmpf ogt, %transpose3A, %gt3A_146 : vector<256x32xf32>
    %sub3A_148 = vector.broadcast %broadcast_in_dim3A_144 : vector<256x1xf32> to vector<256x32xf32>
    %sub3A_149 = arith.subf %mul3A_135, %sub3A_148 : vector<256x32xf32>
    %exp3A_150 = math.exp %sub3A_149 : vector<256x32xf32>
    %jit3A_151 = arith.constant 0.000000e+00 : f32
    %broadcast_in_dim3A_152 = vector.broadcast %jit3A_151 : f32 to vector<256x32xf32>
    %select_n3A_153 = arith.select %gt3A_147, %exp3A_150, %broadcast_in_dim3A_152 : vector<256x32xi1>, vector<256x32xf32>
    %dot_general3A_154 = arith.constant dense<0.000000e+00> : vector<256x256xf32>
    %dot_general3A_155 = tpu.matmul %select_n3A_153, %convert_element_type3A_4, %dot_general3A_154 {dimension_numbers = #tpu.dot_dimension_numbers<[1], [0], [0], [1], [0, 0, 1, 1], [], []>, transpose_lhs_hint = false} : vector<256x32xf32>, vector<32x256xf32>, vector<256x256xf32> -> vector<256x256xf32>
    %mul3A_156 = arith.mulf %select_n3A_130, %dot_general3A_155 : vector<256x256xf32>
    %swap3A_157 = arith.constant 0 : index
    %swap3A_158 = arith.constant 256 : index
    %swap3A_159 = vector.load %arg7[%swap3A_157, %swap3A_158] : memref<256x2048xf32, #tpu.memory_space<vmem>>, vector<256x256xf32>
    tpu.vector_store %arg7[%swap3A_157, %swap3A_158], %mul3A_156 {strides = array<i32>} : memref<256x2048xf32, #tpu.memory_space<vmem>>, vector<256x256xf32>,
    %slice3A_160 = vector.extract_strided_slice %add3A_36 {offsets = [0, 32], sizes = [256, 16], strides = [1, 1]} : vector<256x128xf32> to vector<256x16xf32>
    %slice3A_161 = vector.extract_strided_slice %dot_general3A_38 {offsets = [0, 32], sizes = [256, 16], strides = [1, 1]} : vector<256x128xf32> to vector<256x16xf32>
    %slice3A_162 = vector.extract_strided_slice %add3A_46 {offsets = [0, 32], sizes = [32, 16], strides = [1, 1]} : vector<32x128xf32> to vector<32x16xf32>
    %dot_general3A_163 = arith.constant dense<0.000000e+00> : vector<256x256xf32>
    %dot_general3A_164 = tpu.matmul %slice3A_160, %slice3A_161, %dot_general3A_163 {dimension_numbers = #tpu.dot_dimension_numbers<[1], [1], [0], [0], [0, 0, 1, 0], [], []>, transpose_lhs_hint = false} : vector<256x16xf32>, vector<256x16xf32>, vector<256x256xf32> -> vector<256x256xf32>
    %mul3A_165 = arith.constant 2.500000e-01 : f32
    %mul3A_166 = vector.broadcast %mul3A_165 : f32 to vector<256x256xf32>
    %mul3A_167 = arith.mulf %dot_general3A_164, %mul3A_166 : vector<256x256xf32>
    %gt3A_168 = arith.constant 0.000000e+00 : f32
    %gt3A_169 = vector.broadcast %gt3A_168 : f32 to vector<256x256xf32>
    %gt3A_170 = arith.cmpf ogt, %dot_general3A_48, %gt3A_169 : vector<256x256xf32>
    %jit3A_171 = arith.constant -1.000000e+30 : f32
    %broadcast_in_dim3A_172 = vector.broadcast %jit3A_171 : f32 to vector<256x256xf32>
    %select_n3A_173 = arith.select %gt3A_170, %mul3A_167, %broadcast_in_dim3A_172 : vector<256x256xi1>, vector<256x256xf32>
    %reduce_max3A_174 = arith.constant dense<0xFF800000> : vector<256xf32>
    %reduce_max3A_175 = vector.multi_reduction <maximumf>, %select_n3A_173, %reduce_max3A_174 [1] : vector<256x256xf32> to vector<256xf32>
    %broadcast_in_dim3A_176 = vector.shape_cast %reduce_max3A_175 : vector<256xf32> to vector<256x1xf32>
    %gt3A_177 = arith.constant 0.000000e+00 : f32
    %gt3A_178 = vector.broadcast %gt3A_177 : f32 to vector<256x256xf32>
    %gt3A_179 = arith.cmpf ogt, %dot_general3A_48, %gt3A_178 : vector<256x256xf32>
    %sub3A_180 = vector.broadcast %broadcast_in_dim3A_176 : vector<256x1xf32> to vector<256x256xf32>
    %sub3A_181 = arith.subf %mul3A_167, %sub3A_180 : vector<256x256xf32>
    %exp3A_182 = math.exp %sub3A_181 : vector<256x256xf32>
    %jit3A_183 = arith.constant 0.000000e+00 : f32
    %broadcast_in_dim3A_184 = vector.broadcast %jit3A_183 : f32 to vector<256x256xf32>
    %select_n3A_185 = arith.select %gt3A_179, %exp3A_182, %broadcast_in_dim3A_184 : vector<256x256xi1>, vector<256x256xf32>
    %dot_general3A_186 = arith.constant dense<0.000000e+00> : vector<256x32xf32>
    %dot_general3A_187 = tpu.matmul %slice3A_160, %slice3A_162, %dot_general3A_186 {dimension_numbers = #tpu.dot_dimension_numbers<[1], [1], [0], [0], [0, 0, 1, 0], [], []>, transpose_lhs_hint = false} : vector<256x16xf32>, vector<32x16xf32>, vector<256x32xf32> -> vector<256x32xf32>
    %mul3A_188 = arith.constant 2.500000e-01 : f32
    %mul3A_189 = vector.broadcast %mul3A_188 : f32 to vector<256x32xf32>
    %mul3A_190 = arith.mulf %dot_general3A_187, %mul3A_189 : vector<256x32xf32>
    %gt3A_191 = arith.constant 0.000000e+00 : f32
    %gt3A_192 = vector.broadcast %gt3A_191 : f32 to vector<256x32xf32>
    %gt3A_193 = arith.cmpf ogt, %transpose3A, %gt3A_192 : vector<256x32xf32>
    %jit3A_194 = arith.constant -1.000000e+30 : f32
    %broadcast_in_dim3A_195 = vector.broadcast %jit3A_194 : f32 to vector<256x32xf32>
    %select_n3A_196 = arith.select %gt3A_193, %mul3A_190, %broadcast_in_dim3A_195 : vector<256x32xi1>, vector<256x32xf32>
    %reduce_max3A_197 = arith.constant dense<0xFF800000> : vector<256xf32>
    %reduce_max3A_198 = vector.multi_reduction <maximumf>, %select_n3A_196, %reduce_max3A_197 [1] : vector<256x32xf32> to vector<256xf32>
    %broadcast_in_dim3A_199 = vector.shape_cast %reduce_max3A_198 : vector<256xf32> to vector<256x1xf32>
    %gt3A_200 = arith.constant 0.000000e+00 : f32
    %gt3A_201 = vector.broadcast %gt3A_200 : f32 to vector<256x32xf32>
    %gt3A_202 = arith.cmpf ogt, %transpose3A, %gt3A_201 : vector<256x32xf32>
    %sub3A_203 = vector.broadcast %broadcast_in_dim3A_199 : vector<256x1xf32> to vector<256x32xf32>
    %sub3A_204 = arith.subf %mul3A_190, %sub3A_203 : vector<256x32xf32>
    %exp3A_205 = math.exp %sub3A_204 : vector<256x32xf32>
    %jit3A_206 = arith.constant 0.000000e+00 : f32
    %broadcast_in_dim3A_207 = vector.broadcast %jit3A_206 : f32 to vector<256x32xf32>
    %select_n3A_208 = arith.select %gt3A_202, %exp3A_205, %broadcast_in_dim3A_207 : vector<256x32xi1>, vector<256x32xf32>
    %dot_general3A_209 = arith.constant dense<0.000000e+00> : vector<256x256xf32>
    %dot_general3A_210 = tpu.matmul %select_n3A_208, %convert_element_type3A_4, %dot_general3A_209 {dimension_numbers = #tpu.dot_dimension_numbers<[1], [0], [0], [1], [0, 0, 1, 1], [], []>, transpose_lhs_hint = false} : vector<256x32xf32>, vector<32x256xf32>, vector<256x256xf32> -> vector<256x256xf32>
    %mul3A_211 = arith.mulf %select_n3A_185, %dot_general3A_210 : vector<256x256xf32>
    %swap3A_212 = arith.constant 0 : index
    %swap3A_213 = arith.constant 512 : index
    %swap3A_214 = vector.load %arg7[%swap3A_212, %swap3A_213] : memref<256x2048xf32, #tpu.memory_space<vmem>>, vector<256x256xf32>
    tpu.vector_store %arg7[%swap3A_212, %swap3A_213], %mul3A_211 {strides = array<i32>} : memref<256x2048xf32, #tpu.memory_space<vmem>>, vector<256x256xf32>,
    %slice3A_215 = vector.extract_strided_slice %add3A_36 {offsets = [0, 48], sizes = [256, 16], strides = [1, 1]} : vector<256x128xf32> to vector<256x16xf32>
    %slice3A_216 = vector.extract_strided_slice %dot_general3A_38 {offsets = [0, 48], sizes = [256, 16], strides = [1, 1]} : vector<256x128xf32> to vector<256x16xf32>
    %slice3A_217 = vector.extract_strided_slice %add3A_46 {offsets = [0, 48], sizes = [32, 16], strides = [1, 1]} : vector<32x128xf32> to vector<32x16xf32>
    %dot_general3A_218 = arith.constant dense<0.000000e+00> : vector<256x256xf32>
    %dot_general3A_219 = tpu.matmul %slice3A_215, %slice3A_216, %dot_general3A_218 {dimension_numbers = #tpu.dot_dimension_numbers<[1], [1], [0], [0], [0, 0, 1, 0], [], []>, transpose_lhs_hint = false} : vector<256x16xf32>, vector<256x16xf32>, vector<256x256xf32> -> vector<256x256xf32>
    %mul3A_220 = arith.constant 2.500000e-01 : f32
    %mul3A_221 = vector.broadcast %mul3A_220 : f32 to vector<256x256xf32>
    %mul3A_222 = arith.mulf %dot_general3A_219, %mul3A_221 : vector<256x256xf32>
    %gt3A_223 = arith.constant 0.000000e+00 : f32
    %gt3A_224 = vector.broadcast %gt3A_223 : f32 to vector<256x256xf32>
    %gt3A_225 = arith.cmpf ogt, %dot_general3A_48, %gt3A_224 : vector<256x256xf32>
    %jit3A_226 = arith.constant -1.000000e+30 : f32
    %broadcast_in_dim3A_227 = vector.broadcast %jit3A_226 : f32 to vector<256x256xf32>
    %select_n3A_228 = arith.select %gt3A_225, %mul3A_222, %broadcast_in_dim3A_227 : vector<256x256xi1>, vector<256x256xf32>
    %reduce_max3A_229 = arith.constant dense<0xFF800000> : vector<256xf32>
    %reduce_max3A_230 = vector.multi_reduction <maximumf>, %select_n3A_228, %reduce_max3A_229 [1] : vector<256x256xf32> to vector<256xf32>
    %broadcast_in_dim3A_231 = vector.shape_cast %reduce_max3A_230 : vector<256xf32> to vector<256x1xf32>
    %gt3A_232 = arith.constant 0.000000e+00 : f32
    %gt3A_233 = vector.broadcast %gt3A_232 : f32 to vector<256x256xf32>
    %gt3A_234 = arith.cmpf ogt, %dot_general3A_48, %gt3A_233 : vector<256x256xf32>
    %sub3A_235 = vector.broadcast %broadcast_in_dim3A_231 : vector<256x1xf32> to vector<256x256xf32>
    %sub3A_236 = arith.subf %mul3A_222, %sub3A_235 : vector<256x256xf32>
    %exp3A_237 = math.exp %sub3A_236 : vector<256x256xf32>
    %jit3A_238 = arith.constant 0.000000e+00 : f32
    %broadcast_in_dim3A_239 = vector.broadcast %jit3A_238 : f32 to vector<256x256xf32>
    %select_n3A_240 = arith.select %gt3A_234, %exp3A_237, %broadcast_in_dim3A_239 : vector<256x256xi1>, vector<256x256xf32>
    %dot_general3A_241 = arith.constant dense<0.000000e+00> : vector<256x32xf32>
    %dot_general3A_242 = tpu.matmul %slice3A_215, %slice3A_217, %dot_general3A_241 {dimension_numbers = #tpu.dot_dimension_numbers<[1], [1], [0], [0], [0, 0, 1, 0], [], []>, transpose_lhs_hint = false} : vector<256x16xf32>, vector<32x16xf32>, vector<256x32xf32> -> vector<256x32xf32>
    %mul3A_243 = arith.constant 2.500000e-01 : f32
    %mul3A_244 = vector.broadcast %mul3A_243 : f32 to vector<256x32xf32>
    %mul3A_245 = arith.mulf %dot_general3A_242, %mul3A_244 : vector<256x32xf32>
    %gt3A_246 = arith.constant 0.000000e+00 : f32
    %gt3A_247 = vector.broadcast %gt3A_246 : f32 to vector<256x32xf32>
    %gt3A_248 = arith.cmpf ogt, %transpose3A, %gt3A_247 : vector<256x32xf32>
    %jit3A_249 = arith.constant -1.000000e+30 : f32
    %broadcast_in_dim3A_250 = vector.broadcast %jit3A_249 : f32 to vector<256x32xf32>
    %select_n3A_251 = arith.select %gt3A_248, %mul3A_245, %broadcast_in_dim3A_250 : vector<256x32xi1>, vector<256x32xf32>
    %reduce_max3A_252 = arith.constant dense<0xFF800000> : vector<256xf32>
    %reduce_max3A_253 = vector.multi_reduction <maximumf>, %select_n3A_251, %reduce_max3A_252 [1] : vector<256x32xf32> to vector<256xf32>
    %broadcast_in_dim3A_254 = vector.shape_cast %reduce_max3A_253 : vector<256xf32> to vector<256x1xf32>
    %gt3A_255 = arith.constant 0.000000e+00 : f32
    %gt3A_256 = vector.broadcast %gt3A_255 : f32 to vector<256x32xf32>
    %gt3A_257 = arith.cmpf ogt, %transpose3A, %gt3A_256 : vector<256x32xf32>
    %sub3A_258 = vector.broadcast %broadcast_in_dim3A_254 : vector<256x1xf32> to vector<256x32xf32>
    %sub3A_259 = arith.subf %mul3A_245, %sub3A_258 : vector<256x32xf32>
    %exp3A_260 = math.exp %sub3A_259 : vector<256x32xf32>
    %jit3A_261 = arith.constant 0.000000e+00 : f32
    %broadcast_in_dim3A_262 = vector.broadcast %jit3A_261 : f32 to vector<256x32xf32>
    %select_n3A_263 = arith.select %gt3A_257, %exp3A_260, %broadcast_in_dim3A_262 : vector<256x32xi1>, vector<256x32xf32>
    %dot_general3A_264 = arith.constant dense<0.000000e+00> : vector<256x256xf32>
    %dot_general3A_265 = tpu.matmul %select_n3A_263, %convert_element_type3A_4, %dot_general3A_264 {dimension_numbers = #tpu.dot_dimension_numbers<[1], [0], [0], [1], [0, 0, 1, 1], [], []>, transpose_lhs_hint = false} : vector<256x32xf32>, vector<32x256xf32>, vector<256x256xf32> -> vector<256x256xf32>
    %mul3A_266 = arith.mulf %select_n3A_240, %dot_general3A_265 : vector<256x256xf32>
    %swap3A_267 = arith.constant 0 : index
    %swap3A_268 = arith.constant 768 : index
    %swap3A_269 = vector.load %arg7[%swap3A_267, %swap3A_268] : memref<256x2048xf32, #tpu.memory_space<vmem>>, vector<256x256xf32>
    tpu.vector_store %arg7[%swap3A_267, %swap3A_268], %mul3A_266 {strides = array<i32>} : memref<256x2048xf32, #tpu.memory_space<vmem>>, vector<256x256xf32>,
    %slice3A_270 = vector.extract_strided_slice %add3A_36 {offsets = [0, 64], sizes = [256, 16], strides = [1, 1]} : vector<256x128xf32> to vector<256x16xf32>
    %slice3A_271 = vector.extract_strided_slice %dot_general3A_38 {offsets = [0, 64], sizes = [256, 16], strides = [1, 1]} : vector<256x128xf32> to vector<256x16xf32>
    %slice3A_272 = vector.extract_strided_slice %add3A_46 {offsets = [0, 64], sizes = [32, 16], strides = [1, 1]} : vector<32x128xf32> to vector<32x16xf32>
    %dot_general3A_273 = arith.constant dense<0.000000e+00> : vector<256x256xf32>
    %dot_general3A_274 = tpu.matmul %slice3A_270, %slice3A_271, %dot_general3A_273 {dimension_numbers = #tpu.dot_dimension_numbers<[1], [1], [0], [0], [0, 0, 1, 0], [], []>, transpose_lhs_hint = false} : vector<256x16xf32>, vector<256x16xf32>, vector<256x256xf32> -> vector<256x256xf32>
    %mul3A_275 = arith.constant 2.500000e-01 : f32
    %mul3A_276 = vector.broadcast %mul3A_275 : f32 to vector<256x256xf32>
    %mul3A_277 = arith.mulf %dot_general3A_274, %mul3A_276 : vector<256x256xf32>
    %gt3A_278 = arith.constant 0.000000e+00 : f32
    %gt3A_279 = vector.broadcast %gt3A_278 : f32 to vector<256x256xf32>
    %gt3A_280 = arith.cmpf ogt, %dot_general3A_48, %gt3A_279 : vector<256x256xf32>
    %jit3A_281 = arith.constant -1.000000e+30 : f32
    %broadcast_in_dim3A_282 = vector.broadcast %jit3A_281 : f32 to vector<256x256xf32>
    %select_n3A_283 = arith.select %gt3A_280, %mul3A_277, %broadcast_in_dim3A_282 : vector<256x256xi1>, vector<256x256xf32>
    %reduce_max3A_284 = arith.constant dense<0xFF800000> : vector<256xf32>
    %reduce_max3A_285 = vector.multi_reduction <maximumf>, %select_n3A_283, %reduce_max3A_284 [1] : vector<256x256xf32> to vector<256xf32>
    %broadcast_in_dim3A_286 = vector.shape_cast %reduce_max3A_285 : vector<256xf32> to vector<256x1xf32>
    %gt3A_287 = arith.constant 0.000000e+00 : f32
    %gt3A_288 = vector.broadcast %gt3A_287 : f32 to vector<256x256xf32>
    %gt3A_289 = arith.cmpf ogt, %dot_general3A_48, %gt3A_288 : vector<256x256xf32>
    %sub3A_290 = vector.broadcast %broadcast_in_dim3A_286 : vector<256x1xf32> to vector<256x256xf32>
    %sub3A_291 = arith.subf %mul3A_277, %sub3A_290 : vector<256x256xf32>
    %exp3A_292 = math.exp %sub3A_291 : vector<256x256xf32>
    %jit3A_293 = arith.constant 0.000000e+00 : f32
    %broadcast_in_dim3A_294 = vector.broadcast %jit3A_293 : f32 to vector<256x256xf32>
    %select_n3A_295 = arith.select %gt3A_289, %exp3A_292, %broadcast_in_dim3A_294 : vector<256x256xi1>, vector<256x256xf32>
    %dot_general3A_296 = arith.constant dense<0.000000e+00> : vector<256x32xf32>
    %dot_general3A_297 = tpu.matmul %slice3A_270, %slice3A_272, %dot_general3A_296 {dimension_numbers = #tpu.dot_dimension_numbers<[1], [1], [0], [0], [0, 0, 1, 0], [], []>, transpose_lhs_hint = false} : vector<256x16xf32>, vector<32x16xf32>, vector<256x32xf32> -> vector<256x32xf32>
    %mul3A_298 = arith.constant 2.500000e-01 : f32
    %mul3A_299 = vector.broadcast %mul3A_298 : f32 to vector<256x32xf32>
    %mul3A_300 = arith.mulf %dot_general3A_297, %mul3A_299 : vector<256x32xf32>
    %gt3A_301 = arith.constant 0.000000e+00 : f32
    %gt3A_302 = vector.broadcast %gt3A_301 : f32 to vector<256x32xf32>
    %gt3A_303 = arith.cmpf ogt, %transpose3A, %gt3A_302 : vector<256x32xf32>
    %jit3A_304 = arith.constant -1.000000e+30 : f32
    %broadcast_in_dim3A_305 = vector.broadcast %jit3A_304 : f32 to vector<256x32xf32>
    %select_n3A_306 = arith.select %gt3A_303, %mul3A_300, %broadcast_in_dim3A_305 : vector<256x32xi1>, vector<256x32xf32>
    %reduce_max3A_307 = arith.constant dense<0xFF800000> : vector<256xf32>
    %reduce_max3A_308 = vector.multi_reduction <maximumf>, %select_n3A_306, %reduce_max3A_307 [1] : vector<256x32xf32> to vector<256xf32>
    %broadcast_in_dim3A_309 = vector.shape_cast %reduce_max3A_308 : vector<256xf32> to vector<256x1xf32>
    %gt3A_310 = arith.constant 0.000000e+00 : f32
    %gt3A_311 = vector.broadcast %gt3A_310 : f32 to vector<256x32xf32>
    %gt3A_312 = arith.cmpf ogt, %transpose3A, %gt3A_311 : vector<256x32xf32>
    %sub3A_313 = vector.broadcast %broadcast_in_dim3A_309 : vector<256x1xf32> to vector<256x32xf32>
    %sub3A_314 = arith.subf %mul3A_300, %sub3A_313 : vector<256x32xf32>
    %exp3A_315 = math.exp %sub3A_314 : vector<256x32xf32>
    %jit3A_316 = arith.constant 0.000000e+00 : f32
    %broadcast_in_dim3A_317 = vector.broadcast %jit3A_316 : f32 to vector<256x32xf32>
    %select_n3A_318 = arith.select %gt3A_312, %exp3A_315, %broadcast_in_dim3A_317 : vector<256x32xi1>, vector<256x32xf32>
    %dot_general3A_319 = arith.constant dense<0.000000e+00> : vector<256x256xf32>
    %dot_general3A_320 = tpu.matmul %select_n3A_318, %convert_element_type3A_4, %dot_general3A_319 {dimension_numbers = #tpu.dot_dimension_numbers<[1], [0], [0], [1], [0, 0, 1, 1], [], []>, transpose_lhs_hint = false} : vector<256x32xf32>, vector<32x256xf32>, vector<256x256xf32> -> vector<256x256xf32>
    %mul3A_321 = arith.mulf %select_n3A_295, %dot_general3A_320 : vector<256x256xf32>
    %swap3A_322 = arith.constant 0 : index
    %swap3A_323 = arith.constant 1024 : index
    %swap3A_324 = vector.load %arg7[%swap3A_322, %swap3A_323] : memref<256x2048xf32, #tpu.memory_space<vmem>>, vector<256x256xf32>
    tpu.vector_store %arg7[%swap3A_322, %swap3A_323], %mul3A_321 {strides = array<i32>} : memref<256x2048xf32, #tpu.memory_space<vmem>>, vector<256x256xf32>,
    %slice3A_325 = vector.extract_strided_slice %add3A_36 {offsets = [0, 80], sizes = [256, 16], strides = [1, 1]} : vector<256x128xf32> to vector<256x16xf32>
    %slice3A_326 = vector.extract_strided_slice %dot_general3A_38 {offsets = [0, 80], sizes = [256, 16], strides = [1, 1]} : vector<256x128xf32> to vector<256x16xf32>
    %slice3A_327 = vector.extract_strided_slice %add3A_46 {offsets = [0, 80], sizes = [32, 16], strides = [1, 1]} : vector<32x128xf32> to vector<32x16xf32>
    %dot_general3A_328 = arith.constant dense<0.000000e+00> : vector<256x256xf32>
    %dot_general3A_329 = tpu.matmul %slice3A_325, %slice3A_326, %dot_general3A_328 {dimension_numbers = #tpu.dot_dimension_numbers<[1], [1], [0], [0], [0, 0, 1, 0], [], []>, transpose_lhs_hint = false} : vector<256x16xf32>, vector<256x16xf32>, vector<256x256xf32> -> vector<256x256xf32>
    %mul3A_330 = arith.constant 2.500000e-01 : f32
    %mul3A_331 = vector.broadcast %mul3A_330 : f32 to vector<256x256xf32>
    %mul3A_332 = arith.mulf %dot_general3A_329, %mul3A_331 : vector<256x256xf32>
    %gt3A_333 = arith.constant 0.000000e+00 : f32
    %gt3A_334 = vector.broadcast %gt3A_333 : f32 to vector<256x256xf32>
    %gt3A_335 = arith.cmpf ogt, %dot_general3A_48, %gt3A_334 : vector<256x256xf32>
    %jit3A_336 = arith.constant -1.000000e+30 : f32
    %broadcast_in_dim3A_337 = vector.broadcast %jit3A_336 : f32 to vector<256x256xf32>
    %select_n3A_338 = arith.select %gt3A_335, %mul3A_332, %broadcast_in_dim3A_337 : vector<256x256xi1>, vector<256x256xf32>
    %reduce_max3A_339 = arith.constant dense<0xFF800000> : vector<256xf32>
    %reduce_max3A_340 = vector.multi_reduction <maximumf>, %select_n3A_338, %reduce_max3A_339 [1] : vector<256x256xf32> to vector<256xf32>
    %broadcast_in_dim3A_341 = vector.shape_cast %reduce_max3A_340 : vector<256xf32> to vector<256x1xf32>
    %gt3A_342 = arith.constant 0.000000e+00 : f32
    %gt3A_343 = vector.broadcast %gt3A_342 : f32 to vector<256x256xf32>
    %gt3A_344 = arith.cmpf ogt, %dot_general3A_48, %gt3A_343 : vector<256x256xf32>
    %sub3A_345 = vector.broadcast %broadcast_in_dim3A_341 : vector<256x1xf32> to vector<256x256xf32>
    %sub3A_346 = arith.subf %mul3A_332, %sub3A_345 : vector<256x256xf32>
    %exp3A_347 = math.exp %sub3A_346 : vector<256x256xf32>
    %jit3A_348 = arith.constant 0.000000e+00 : f32
    %broadcast_in_dim3A_349 = vector.broadcast %jit3A_348 : f32 to vector<256x256xf32>
    %select_n3A_350 = arith.select %gt3A_344, %exp3A_347, %broadcast_in_dim3A_349 : vector<256x256xi1>, vector<256x256xf32>
    %dot_general3A_351 = arith.constant dense<0.000000e+00> : vector<256x32xf32>
    %dot_general3A_352 = tpu.matmul %slice3A_325, %slice3A_327, %dot_general3A_351 {dimension_numbers = #tpu.dot_dimension_numbers<[1], [1], [0], [0], [0, 0, 1, 0], [], []>, transpose_lhs_hint = false} : vector<256x16xf32>, vector<32x16xf32>, vector<256x32xf32> -> vector<256x32xf32>
    %mul3A_353 = arith.constant 2.500000e-01 : f32
    %mul3A_354 = vector.broadcast %mul3A_353 : f32 to vector<256x32xf32>
    %mul3A_355 = arith.mulf %dot_general3A_352, %mul3A_354 : vector<256x32xf32>
    %gt3A_356 = arith.constant 0.000000e+00 : f32
    %gt3A_357 = vector.broadcast %gt3A_356 : f32 to vector<256x32xf32>
    %gt3A_358 = arith.cmpf ogt, %transpose3A, %gt3A_357 : vector<256x32xf32>
    %jit3A_359 = arith.constant -1.000000e+30 : f32
    %broadcast_in_dim3A_360 = vector.broadcast %jit3A_359 : f32 to vector<256x32xf32>
    %select_n3A_361 = arith.select %gt3A_358, %mul3A_355, %broadcast_in_dim3A_360 : vector<256x32xi1>, vector<256x32xf32>
    %reduce_max3A_362 = arith.constant dense<0xFF800000> : vector<256xf32>
    %reduce_max3A_363 = vector.multi_reduction <maximumf>, %select_n3A_361, %reduce_max3A_362 [1] : vector<256x32xf32> to vector<256xf32>
    %broadcast_in_dim3A_364 = vector.shape_cast %reduce_max3A_363 : vector<256xf32> to vector<256x1xf32>
    %gt3A_365 = arith.constant 0.000000e+00 : f32
    %gt3A_366 = vector.broadcast %gt3A_365 : f32 to vector<256x32xf32>
    %gt3A_367 = arith.cmpf ogt, %transpose3A, %gt3A_366 : vector<256x32xf32>
    %sub3A_368 = vector.broadcast %broadcast_in_dim3A_364 : vector<256x1xf32> to vector<256x32xf32>
    %sub3A_369 = arith.subf %mul3A_355, %sub3A_368 : vector<256x32xf32>
    %exp3A_370 = math.exp %sub3A_369 : vector<256x32xf32>
    %jit3A_371 = arith.constant 0.000000e+00 : f32
    %broadcast_in_dim3A_372 = vector.broadcast %jit3A_371 : f32 to vector<256x32xf32>
    %select_n3A_373 = arith.select %gt3A_367, %exp3A_370, %broadcast_in_dim3A_372 : vector<256x32xi1>, vector<256x32xf32>
    %dot_general3A_374 = arith.constant dense<0.000000e+00> : vector<256x256xf32>
    %dot_general3A_375 = tpu.matmul %select_n3A_373, %convert_element_type3A_4, %dot_general3A_374 {dimension_numbers = #tpu.dot_dimension_numbers<[1], [0], [0], [1], [0, 0, 1, 1], [], []>, transpose_lhs_hint = false} : vector<256x32xf32>, vector<32x256xf32>, vector<256x256xf32> -> vector<256x256xf32>
    %mul3A_376 = arith.mulf %select_n3A_350, %dot_general3A_375 : vector<256x256xf32>
    %swap3A_377 = arith.constant 0 : index
    %swap3A_378 = arith.constant 1280 : index
    %swap3A_379 = vector.load %arg7[%swap3A_377, %swap3A_378] : memref<256x2048xf32, #tpu.memory_space<vmem>>, vector<256x256xf32>
    tpu.vector_store %arg7[%swap3A_377, %swap3A_378], %mul3A_376 {strides = array<i32>} : memref<256x2048xf32, #tpu.memory_space<vmem>>, vector<256x256xf32>,
    %slice3A_380 = vector.extract_strided_slice %add3A_36 {offsets = [0, 96], sizes = [256, 16], strides = [1, 1]} : vector<256x128xf32> to vector<256x16xf32>
    %slice3A_381 = vector.extract_strided_slice %dot_general3A_38 {offsets = [0, 96], sizes = [256, 16], strides = [1, 1]} : vector<256x128xf32> to vector<256x16xf32>
    %slice3A_382 = vector.extract_strided_slice %add3A_46 {offsets = [0, 96], sizes = [32, 16], strides = [1, 1]} : vector<32x128xf32> to vector<32x16xf32>
    %dot_general3A_383 = arith.constant dense<0.000000e+00> : vector<256x256xf32>
    %dot_general3A_384 = tpu.matmul %slice3A_380, %slice3A_381, %dot_general3A_383 {dimension_numbers = #tpu.dot_dimension_numbers<[1], [1], [0], [0], [0, 0, 1, 0], [], []>, transpose_lhs_hint = false} : vector<256x16xf32>, vector<256x16xf32>, vector<256x256xf32> -> vector<256x256xf32>
    %mul3A_385 = arith.constant 2.500000e-01 : f32
    %mul3A_386 = vector.broadcast %mul3A_385 : f32 to vector<256x256xf32>
    %mul3A_387 = arith.mulf %dot_general3A_384, %mul3A_386 : vector<256x256xf32>
    %gt3A_388 = arith.constant 0.000000e+00 : f32
    %gt3A_389 = vector.broadcast %gt3A_388 : f32 to vector<256x256xf32>
    %gt3A_390 = arith.cmpf ogt, %dot_general3A_48, %gt3A_389 : vector<256x256xf32>
    %jit3A_391 = arith.constant -1.000000e+30 : f32
    %broadcast_in_dim3A_392 = vector.broadcast %jit3A_391 : f32 to vector<256x256xf32>
    %select_n3A_393 = arith.select %gt3A_390, %mul3A_387, %broadcast_in_dim3A_392 : vector<256x256xi1>, vector<256x256xf32>
    %reduce_max3A_394 = arith.constant dense<0xFF800000> : vector<256xf32>
    %reduce_max3A_395 = vector.multi_reduction <maximumf>, %select_n3A_393, %reduce_max3A_394 [1] : vector<256x256xf32> to vector<256xf32>
    %broadcast_in_dim3A_396 = vector.shape_cast %reduce_max3A_395 : vector<256xf32> to vector<256x1xf32>
    %gt3A_397 = arith.constant 0.000000e+00 : f32
    %gt3A_398 = vector.broadcast %gt3A_397 : f32 to vector<256x256xf32>
    %gt3A_399 = arith.cmpf ogt, %dot_general3A_48, %gt3A_398 : vector<256x256xf32>
    %sub3A_400 = vector.broadcast %broadcast_in_dim3A_396 : vector<256x1xf32> to vector<256x256xf32>
    %sub3A_401 = arith.subf %mul3A_387, %sub3A_400 : vector<256x256xf32>
    %exp3A_402 = math.exp %sub3A_401 : vector<256x256xf32>
    %jit3A_403 = arith.constant 0.000000e+00 : f32
    %broadcast_in_dim3A_404 = vector.broadcast %jit3A_403 : f32 to vector<256x256xf32>
    %select_n3A_405 = arith.select %gt3A_399, %exp3A_402, %broadcast_in_dim3A_404 : vector<256x256xi1>, vector<256x256xf32>
    %dot_general3A_406 = arith.constant dense<0.000000e+00> : vector<256x32xf32>
    %dot_general3A_407 = tpu.matmul %slice3A_380, %slice3A_382, %dot_general3A_406 {dimension_numbers = #tpu.dot_dimension_numbers<[1], [1], [0], [0], [0, 0, 1, 0], [], []>, transpose_lhs_hint = false} : vector<256x16xf32>, vector<32x16xf32>, vector<256x32xf32> -> vector<256x32xf32>
    %mul3A_408 = arith.constant 2.500000e-01 : f32
    %mul3A_409 = vector.broadcast %mul3A_408 : f32 to vector<256x32xf32>
    %mul3A_410 = arith.mulf %dot_general3A_407, %mul3A_409 : vector<256x32xf32>
    %gt3A_411 = arith.constant 0.000000e+00 : f32
    %gt3A_412 = vector.broadcast %gt3A_411 : f32 to vector<256x32xf32>
    %gt3A_413 = arith.cmpf ogt, %transpose3A, %gt3A_412 : vector<256x32xf32>
    %jit3A_414 = arith.constant -1.000000e+30 : f32
    %broadcast_in_dim3A_415 = vector.broadcast %jit3A_414 : f32 to vector<256x32xf32>
    %select_n3A_416 = arith.select %gt3A_413, %mul3A_410, %broadcast_in_dim3A_415 : vector<256x32xi1>, vector<256x32xf32>
    %reduce_max3A_417 = arith.constant dense<0xFF800000> : vector<256xf32>
    %reduce_max3A_418 = vector.multi_reduction <maximumf>, %select_n3A_416, %reduce_max3A_417 [1] : vector<256x32xf32> to vector<256xf32>
    %broadcast_in_dim3A_419 = vector.shape_cast %reduce_max3A_418 : vector<256xf32> to vector<256x1xf32>
    %gt3A_420 = arith.constant 0.000000e+00 : f32
    %gt3A_421 = vector.broadcast %gt3A_420 : f32 to vector<256x32xf32>
    %gt3A_422 = arith.cmpf ogt, %transpose3A, %gt3A_421 : vector<256x32xf32>
    %sub3A_423 = vector.broadcast %broadcast_in_dim3A_419 : vector<256x1xf32> to vector<256x32xf32>
    %sub3A_424 = arith.subf %mul3A_410, %sub3A_423 : vector<256x32xf32>
    %exp3A_425 = math.exp %sub3A_424 : vector<256x32xf32>
    %jit3A_426 = arith.constant 0.000000e+00 : f32
    %broadcast_in_dim3A_427 = vector.broadcast %jit3A_426 : f32 to vector<256x32xf32>
    %select_n3A_428 = arith.select %gt3A_422, %exp3A_425, %broadcast_in_dim3A_427 : vector<256x32xi1>, vector<256x32xf32>
    %dot_general3A_429 = arith.constant dense<0.000000e+00> : vector<256x256xf32>
    %dot_general3A_430 = tpu.matmul %select_n3A_428, %convert_element_type3A_4, %dot_general3A_429 {dimension_numbers = #tpu.dot_dimension_numbers<[1], [0], [0], [1], [0, 0, 1, 1], [], []>, transpose_lhs_hint = false} : vector<256x32xf32>, vector<32x256xf32>, vector<256x256xf32> -> vector<256x256xf32>
    %mul3A_431 = arith.mulf %select_n3A_405, %dot_general3A_430 : vector<256x256xf32>
    %swap3A_432 = arith.constant 0 : index
    %swap3A_433 = arith.constant 1536 : index
    %swap3A_434 = vector.load %arg7[%swap3A_432, %swap3A_433] : memref<256x2048xf32, #tpu.memory_space<vmem>>, vector<256x256xf32>
    tpu.vector_store %arg7[%swap3A_432, %swap3A_433], %mul3A_431 {strides = array<i32>} : memref<256x2048xf32, #tpu.memory_space<vmem>>, vector<256x256xf32>,
    %slice3A_435 = vector.extract_strided_slice %add3A_36 {offsets = [0, 112], sizes = [256, 16], strides = [1, 1]} : vector<256x128xf32> to vector<256x16xf32>
    %slice3A_436 = vector.extract_strided_slice %dot_general3A_38 {offsets = [0, 112], sizes = [256, 16], strides = [1, 1]} : vector<256x128xf32> to vector<256x16xf32>
    %slice3A_437 = vector.extract_strided_slice %add3A_46 {offsets = [0, 112], sizes = [32, 16], strides = [1, 1]} : vector<32x128xf32> to vector<32x16xf32>
    %dot_general3A_438 = arith.constant dense<0.000000e+00> : vector<256x256xf32>
    %dot_general3A_439 = tpu.matmul %slice3A_435, %slice3A_436, %dot_general3A_438 {dimension_numbers = #tpu.dot_dimension_numbers<[1], [1], [0], [0], [0, 0, 1, 0], [], []>, transpose_lhs_hint = false} : vector<256x16xf32>, vector<256x16xf32>, vector<256x256xf32> -> vector<256x256xf32>
    %mul3A_440 = arith.constant 2.500000e-01 : f32
    %mul3A_441 = vector.broadcast %mul3A_440 : f32 to vector<256x256xf32>
    %mul3A_442 = arith.mulf %dot_general3A_439, %mul3A_441 : vector<256x256xf32>
    %gt3A_443 = arith.constant 0.000000e+00 : f32
    %gt3A_444 = vector.broadcast %gt3A_443 : f32 to vector<256x256xf32>
    %gt3A_445 = arith.cmpf ogt, %dot_general3A_48, %gt3A_444 : vector<256x256xf32>
    %jit3A_446 = arith.constant -1.000000e+30 : f32
    %broadcast_in_dim3A_447 = vector.broadcast %jit3A_446 : f32 to vector<256x256xf32>
    %select_n3A_448 = arith.select %gt3A_445, %mul3A_442, %broadcast_in_dim3A_447 : vector<256x256xi1>, vector<256x256xf32>
    %reduce_max3A_449 = arith.constant dense<0xFF800000> : vector<256xf32>
    %reduce_max3A_450 = vector.multi_reduction <maximumf>, %select_n3A_448, %reduce_max3A_449 [1] : vector<256x256xf32> to vector<256xf32>
    %broadcast_in_dim3A_451 = vector.shape_cast %reduce_max3A_450 : vector<256xf32> to vector<256x1xf32>
    %gt3A_452 = arith.constant 0.000000e+00 : f32
    %gt3A_453 = vector.broadcast %gt3A_452 : f32 to vector<256x256xf32>
    %gt3A_454 = arith.cmpf ogt, %dot_general3A_48, %gt3A_453 : vector<256x256xf32>
    %sub3A_455 = vector.broadcast %broadcast_in_dim3A_451 : vector<256x1xf32> to vector<256x256xf32>
    %sub3A_456 = arith.subf %mul3A_442, %sub3A_455 : vector<256x256xf32>
    %exp3A_457 = math.exp %sub3A_456 : vector<256x256xf32>
    %jit3A_458 = arith.constant 0.000000e+00 : f32
    %broadcast_in_dim3A_459 = vector.broadcast %jit3A_458 : f32 to vector<256x256xf32>
    %select_n3A_460 = arith.select %gt3A_454, %exp3A_457, %broadcast_in_dim3A_459 : vector<256x256xi1>, vector<256x256xf32>
    %dot_general3A_461 = arith.constant dense<0.000000e+00> : vector<256x32xf32>
    %dot_general3A_462 = tpu.matmul %slice3A_435, %slice3A_437, %dot_general3A_461 {dimension_numbers = #tpu.dot_dimension_numbers<[1], [1], [0], [0], [0, 0, 1, 0], [], []>, transpose_lhs_hint = false} : vector<256x16xf32>, vector<32x16xf32>, vector<256x32xf32> -> vector<256x32xf32>
    %mul3A_463 = arith.constant 2.500000e-01 : f32
    %mul3A_464 = vector.broadcast %mul3A_463 : f32 to vector<256x32xf32>
    %mul3A_465 = arith.mulf %dot_general3A_462, %mul3A_464 : vector<256x32xf32>
    %gt3A_466 = arith.constant 0.000000e+00 : f32
    %gt3A_467 = vector.broadcast %gt3A_466 : f32 to vector<256x32xf32>
    %gt3A_468 = arith.cmpf ogt, %transpose3A, %gt3A_467 : vector<256x32xf32>
    %jit3A_469 = arith.constant -1.000000e+30 : f32
    %broadcast_in_dim3A_470 = vector.broadcast %jit3A_469 : f32 to vector<256x32xf32>
    %select_n3A_471 = arith.select %gt3A_468, %mul3A_465, %broadcast_in_dim3A_470 : vector<256x32xi1>, vector<256x32xf32>
    %reduce_max3A_472 = arith.constant dense<0xFF800000> : vector<256xf32>
    %reduce_max3A_473 = vector.multi_reduction <maximumf>, %select_n3A_471, %reduce_max3A_472 [1] : vector<256x32xf32> to vector<256xf32>
    %broadcast_in_dim3A_474 = vector.shape_cast %reduce_max3A_473 : vector<256xf32> to vector<256x1xf32>
    %gt3A_475 = arith.constant 0.000000e+00 : f32
    %gt3A_476 = vector.broadcast %gt3A_475 : f32 to vector<256x32xf32>
    %gt3A_477 = arith.cmpf ogt, %transpose3A, %gt3A_476 : vector<256x32xf32>
    %sub3A_478 = vector.broadcast %broadcast_in_dim3A_474 : vector<256x1xf32> to vector<256x32xf32>
    %sub3A_479 = arith.subf %mul3A_465, %sub3A_478 : vector<256x32xf32>
    %exp3A_480 = math.exp %sub3A_479 : vector<256x32xf32>
    %jit3A_481 = arith.constant 0.000000e+00 : f32
    %broadcast_in_dim3A_482 = vector.broadcast %jit3A_481 : f32 to vector<256x32xf32>
    %select_n3A_483 = arith.select %gt3A_477, %exp3A_480, %broadcast_in_dim3A_482 : vector<256x32xi1>, vector<256x32xf32>
    %dot_general3A_484 = arith.constant dense<0.000000e+00> : vector<256x256xf32>
    %dot_general3A_485 = tpu.matmul %select_n3A_483, %convert_element_type3A_4, %dot_general3A_484 {dimension_numbers = #tpu.dot_dimension_numbers<[1], [0], [0], [1], [0, 0, 1, 1], [], []>, transpose_lhs_hint = false} : vector<256x32xf32>, vector<32x256xf32>, vector<256x256xf32> -> vector<256x256xf32>
    %mul3A_486 = arith.mulf %select_n3A_460, %dot_general3A_485 : vector<256x256xf32>
    %swap3A_487 = arith.constant 0 : index
    %swap3A_488 = arith.constant 1792 : index
    %swap3A_489 = vector.load %arg7[%swap3A_487, %swap3A_488] : memref<256x2048xf32, #tpu.memory_space<vmem>>, vector<256x256xf32>
    tpu.vector_store %arg7[%swap3A_487, %swap3A_488], %mul3A_486 {strides = array<i32>} : memref<256x2048xf32, #tpu.memory_space<vmem>>, vector<256x256xf32>,
    %swap3A_490 = arith.constant 0 : index
    %swap3A_491 = arith.constant 0 : index
    %swap3A_492 = vector.load %arg8[%swap3A_490, %swap3A_491] : memref<256x128xf32, #tpu.memory_space<vmem>>, vector<256x128xf32>
    tpu.vector_store %arg8[%swap3A_490, %swap3A_491], %add3A_42 {strides = array<i32>} : memref<256x128xf32, #tpu.memory_space<vmem>>, vector<256x128xf32>,
    return
  }
}

</mosaic_0001>

<sc_bundles>
// kernel: kernel.5.cloned.1.call-start
scs
__scs_entry_jumppad:
0x0: {  	(pc) =	sbr.rel $0x88, $3  }
0x1: {  	(tag) =	ssettag $0x0;
	lr =	simm.s32 $0x1  }
0x2: {  	[smem:$0x3F98] =	sst lr;
	_ =	strace $0xD0000000  }
0x3: {  	_ = 	snop  }
0x4: {  	_ = 	snop  }
0x5: {  	_ = 	snop  }
0x6: {  	_ = 	snop  }
0x7: {  	_ = 	snop  }
__scs_overlays_trampoline_lowered:
0x8: {  	[smem:$0x3FA7] =	sst s0  }
0x9: {  	[smem:$0x3FA8] =	sst s1  }
0xa: {  	[smem:$0x3FA9] =	sst s2  }
0xb: {  	[smem:$0x3FAA] =	sst s3  }
0xc: {  	[smem:$0x3FAB] =	sst s4  }
0xd: {  	[smem:$0x3FAC] =	sst s5  }
0xe: {  	[smem:$0x3FAD] =	sst s6  }
0xf: {  	[smem:$0x3FAE] =	sst s7  }
0x10: {  	[smem:$0x3FAF] =	sst s8  }
0x11: {  	[smem:$0x3FB0] =	sst s9;
	s0 =	simm.s32 @!p0 $0x0  }
0x12: {  	s1 =	sld [smem:$0x3F96];
	s0 =	simm.s32 @p0 $0x1  }
0x13: {  	[smem:$0x3FB1] =	sst s0;
	s0 =	simm.s32 @!p1 $0x0  }
0x14: {  	s2 =	sld [smem:$0x3F95];
	s0 =	simm.s32 @p1 $0x1  }
0x15: {  	[smem:$0x3FB2] =	sst s0;
	s0 =	simm.s32 @!p2 $0x0  }
0x16: {  	s3 =	sld [smem:$0x3FDB];
	s0 =	simm.s32 @p2 $0x1  }
0x17: {  	s4 =	simm.s32 $0x1BF5;
	[smem:$0x3FB4] =	sst s0  }
0x18: {  	s0 =	sld [smem:$0x3F97];
	_ =	swait.ge [sflag:s4], $0x0  }
0x19: {  	s7 =	sld [smem:$0x3F98]  }
0x1a: {  	s8 =	sadd.s32 $0xFFFFE003, lr  }
0x1b: {  	s9 =	sadd.s32 $0xFFFFFEF7, lr;
	s5 =	simm.s32 $0xFFFFFFFF;
	p2 =	slt.u32 s8, $0xFFFFF086  }
0x1c: {  	p1 =	slt.u32 s9, $0xF7A;
	s5 =	simm.s32 @!p2 $0x0  }
0x1d: {  	s5 =	simm.s32 @p1 $0x1;
	p0 =	seq.s32 s7, s2  }
0x1e: {  	s7 =	smul.u32 @!p0 $0xF7A, s2;
	p2 =	seq.s32 @!p0 s5, $0x0  }
0x1f: {  	s9 =	smul.u32 $0xF7A, s1;
	s8 =	simm.s32 @!p0 $0x1BF5;
	p2 =	por !p2, p0  }
0x20: {  	[sflag:s8] =	ssyncset.s32 @!p0 $0xFFFFF086;
	s6 =	sadd.s32 @!p0 s3, s7;
	s7 =	simm.s32 @!p0 $0x108  }
0x21: {  	s3 =	sadd.s32 s3, s9;
	s6 =	sadd.s32 @!p0 $0x88, s6;
	s7 =	simm.s32 @p2 $0x1082  }
0x22: {  	[simem:s7], [sflag:s8] =	dma.local @!p0 [hbm:s6], $0xF7A  }
0x23: {  	s9 =	sor.u32 $0xD0000000, s2;
	s6 =	simm.s32 $0x108;
	_ =	swait.ge @!p0 [sflag:s8], $0x0  }
0x24: {  	s3 =	sadd.s32 $0x88, s3;
	s6 =	simm.s32 @!p1 $0x1082;
	[sflag:s4] =	ssyncset.s32 $0xFFFFF086  }
0x25: {  	[simem:s6], [sflag:s4] =	dma.local [hbm:s3], $0xF7A  }
0x26: {  	[smem:$0x3F98] =	sst s1;
	(tag) =	ssettag s2;
	_ =	strace s9  }
0x27: {  	s1 =	sld [smem:$0x3FA8]  }
0x28: {  	s2 =	sld [smem:$0x3FA9]  }
0x29: {  	s4 =	sld [smem:$0x3FAB]  }
0x2a: {  	p0 =	seq.s32 s5, $0x0;
	s5 =	sld [smem:$0x3FAC]  }
0x2b: {  	s6 =	sld [smem:$0x3FAD]  }
0x2c: {  	s7 =	sld [smem:$0x3FAE]  }
0x2d: {  	s3 =	simm.s32 $0x108;
	s8 =	sld [smem:$0x3FAF]  }
0x2e: {  	s3 =	simm.s32 @!p0 $0x1082;
	s9 =	sld [smem:$0x3FB0]  }
0x2f: {  	lr =	sadd.s32 s0, s3;
	s0 =	sld [smem:$0x3FA7]  }
0x30: {  	s3 =	sld [smem:$0x3FAA]  }
0x31: {  	[smem:$0x3FB3] =	sst s10  }
0x32: {  	s10 =	sld [smem:$0x3FB1];
	_ =	sdelay $0x3  }
0x33: {  	p0 =	seq.s32 s10, $0x1;
	s10 =	sld [smem:$0x3FB3];
	_ =	sdelay $0x3  }
0x34: {  	[smem:$0x3FB3] =	sst s10  }
0x35: {  	s10 =	sld [smem:$0x3FB2];
	_ =	sdelay $0x3  }
0x36: {  	p1 =	seq.s32 s10, $0x1;
	s10 =	sld [smem:$0x3FB3];
	_ =	sdelay $0x3  }
0x37: {  	[smem:$0x3FB3] =	sst s10  }
0x38: {  	s10 =	sld [smem:$0x3FB4]  }
0x39: {  	_ = 	snop;
	(pc) =	sbr.ind lr, $3  }
0x3a: {  	_ = 	snop  }
0x3b: {  	_ = 	snop  }
0x3c: {  	p2 =	seq.s32 s10, $0x1;
	s10 =	sld [smem:$0x3FB3]  }
0x3d: {  	_ =	shalt  }
0x3e: {  	_ =	shalt  }
0x3f: {  	_ =	shalt  }
0x40: {  	_ =	shalt  }
0x41: {  	_ =	shalt  }
0x42: {  	_ =	shalt  }
0x43: {  	_ =	shalt  }
0x44: {  	_ =	shalt  }
0x45: {  	_ =	shalt  }
0x46: {  	_ =	shalt  }
0x47: {  	_ =	shalt  }
0x48: {  	_ =	shalt  }
0x49: {  	_ =	shalt  }
0x4a: {  	_ =	shalt  }
0x4b: {  	_ =	shalt  }
0x4c: {  	_ =	shalt  }
0x4d: {  	_ =	shalt  }
0x4e: {  	_ =	shalt  }
0x4f: {  	_ =	shalt  }
0x50: {  	_ =	shalt  }
0x51: {  	_ =	shalt  }
0x52: {  	_ =	shalt  }
0x53: {  	_ =	shalt  }
0x54: {  	_ =	shalt  }
0x55: {  	_ =	shalt  }
0x56: {  	_ =	shalt  }
0x57: {  	_ =	shalt  }
0x58: {  	_ =	shalt  }
0x59: {  	_ =	shalt  }
0x5a: {  	_ =	shalt  }
0x5b: {  	_ =	shalt  }
0x5c: {  	_ =	shalt  }
0x5d: {  	_ =	shalt  }
0x5e: {  	_ =	shalt  }
0x5f: {  	_ =	shalt  }
0x60: {  	_ =	shalt  }
0x61: {  	_ =	shalt  }
0x62: {  	_ =	shalt  }
0x63: {  	_ =	shalt  }
0x64: {  	_ =	shalt  }
0x65: {  	_ =	shalt  }
0x66: {  	_ =	shalt  }
0x67: {  	_ =	shalt  }
0x68: {  	_ =	shalt  }
0x69: {  	_ =	shalt  }
0x6a: {  	_ =	shalt  }
0x6b: {  	_ =	shalt  }
0x6c: {  	_ =	shalt  }
0x6d: {  	_ =	shalt  }
0x6e: {  	_ =	shalt  }
0x6f: {  	_ =	shalt  }
0x70: {  	_ =	shalt  }
0x71: {  	_ =	shalt  }
0x72: {  	_ =	shalt  }
0x73: {  	_ =	shalt  }
0x74: {  	_ =	shalt  }
0x75: {  	_ =	shalt  }
0x76: {  	_ =	shalt  }
0x77: {  	_ =	shalt  }
0x78: {  	_ =	shalt  }
0x79: {  	_ =	shalt  }
0x7a: {  	_ =	shalt  }
0x7b: {  	_ =	shalt  }
0x7c: {  	_ =	shalt  }
0x7d: {  	_ =	shalt  }
0x7e: {  	_ =	shalt  }
0x7f: {  	_ =	shalt  }
0x80: {  	_ =	shalt  }
0x81: {  	_ =	shalt  }
0x82: {  	_ =	shalt  }
0x83: {  	_ =	shalt  }
0x84: {  	_ =	shalt  }
0x85: {  	_ =	shalt  }
0x86: {  	_ =	shalt  }
0x87: {  	_ =	shalt  }
.Lfunc_end0:
.L_simem_size_0:
called_computation_lowered:
.L_overlay_start_0:
0x88: {  	s2 =	sld [smem:$0x3FD9]  }
0x89: {  	s3 =	sld [smem:$0x3FFE];
	_ =	sdelay $0x1  }
0x8a: {  	s1 =	srdreg.scid  }
0x8b: {  	s0 =	sand.u32 $0x1, s1  }
0x8c: {  	s17 =	sshll.u32 s0, $0xA;
	s2 =	sadd.s32 s3, s2  }
0x8d: {  	s2 =	sadd.s32 s2, s17  }
0x8e: {  	[smem:$0x3FBF] =	sst s2  }
0x8f: {  	_ = 	snop  }
0x90: {  	s2 =	sld [smem:$0x3FD0];
	(tm) =	ssettm $0x1  }
0x91: {  	s18 =	sld [smem:$0x3FFB];
	_ =	sdelay $0x3  }
0x92: {  	_ =	strace s18  }
0x93: {  	s3 =	sld [smem:$0x3FFC];
	_ =	sdelay $0x3  }
0x94: {  	_ =	strace s3  }
0x95: {  	s3 =	sld [smem:$0x3FFD];
	_ =	sdelay $0x3  }
0x96: {  	_ =	strace s3  }
0x97: {  	_ =	strace $0x8FFFFFFF  }
0x98: {  	s19 =	sld [smem:$0x3FDB];
	_ =	sdelay $0x1  }
0x99: {  	s4 =	simm.s32 $_scs_section_size  }
0x9a: {  	s5 =	simm.s32 $_size__tile_overlayer_lowered;
	s6 =	simm.s32 $_tile_overlayer_lowered  }
0x9b: {  	s22 =	simm.s32 $0x1BFF;
	s21 =	sshll.u32 s6, $0x1;
	s3 =	sadd.s32 s4, s19  }
0x9c: {  	s7 =	simm.s32 $0x0;
	s20 =	sshll.u32 s5, $0x1;
	s5 =	sadd.s32 s21, s3  }
0x9d: {  	[timem:s7], [sflag:s22] =	dma.local [hbm:s5], s20  }
0x9e: {  	_ =	swait.ge [sflag:s22], s20  }
0x9f: {  	s4 =	ssub.s32 $0x0, s20;
	[sflag:s22] =	ssyncset.done $0x0  }
0xa0: {  	[sflag:s22] =	ssyncadd.s32 s4;
	_ =	sdelay $0x1  }
0xa1: {  	s23 =	simm.s32 $0x1B8B  }
0xa2: {  	_ =	swait.ge [sflag:s23], $0x1  }
0xa3: {  	[sflag:s23] =	ssyncset.done $0x0  }
0xa4: {  	s25 =	simm.s32 $0x1B8E;
	s24 =	sld [smem:$0x3FFE];
	[sflag:s23] =	ssyncadd.s32 $0xFFFFFFFF  }
0xa5: {  	s26 =	simm.s32 $execute0_lowered;
	[smem:$0x3FD2] =	sst s25  }
0xa6: {  	s5 =	sshll.u32 s26, $0x1;
	_ =	strace $0x80000046;
	[dreg:$0x1] =	wrdreg $0xFFFFFFFF  }
0xa7: {  	s28 =	simm.s32 $_size_execute0_lowered;
	s3 =	sadd.s32 s3, s5;
	[dreg:$0x0] =	wrdreg $0x0  }
0xa8: {  	s5 =	sshll.u32 s28, $0x1;
	[dreg:$0x2] =	wrdreg s3  }
0xa9: {  	[dreg:$0x3] =	wrdreg s5  }
0xaa: {  	[dreg:$0x4] =	wrdreg $0xC0  }
0xab: {  	_ =	task [dreg:s7], $0x5FFFF  }
0xac: {  	[dreg:$0x1] =	wrdreg $0xFFFFFFFF  }
0xad: {  	[dreg:$0x0] =	wrdreg $0x60  }
0xae: {  	[dreg:$0x2] =	wrdreg s24  }
0xaf: {  	[dreg:$0x3] =	wrdreg s2  }
0xb0: {  	[dreg:$0x4] =	wrdreg $0x9  }
0xb1: {  	_ =	task.clear_ibuf [dreg:s7], $0x5FFFF;
	_ =	strace $0x90000046  }
0xb2: {  	s29 =	simm.s32 $0x9;
	_ =	strace $0x80000048  }
0xb3: {  	_ =	swait.ge [sflag:s29], $0x1  }
0xb4: {  	[sflag:s29] =	ssyncadd.s32 $0xFFFFFFFF  }
0xb5: {  	_ =	strace $0x90000048  }
0xb6: {  	_ =	sfence  }
0xb7: {  	s30 =	sld [smem:$0x0];
	_ =	sdelay $0x2  }
0xb8: {  	s31 =	sshll.u32 s1, $0xD;
	s1 =	sshrl.u32 s1, $0x2  }
0xb9: {  	s3 =	sand.u32 $0x4000, s31;
	s1 =	sadd.s32 s1, s30  }
0xba: {  	s0 =	sor.u32 s3, s0;
	s1 =	sshll.u32 s1, $0x11  }
0xbb: {  	s0 =	sor.u32 s1, s0  }
0xbc: {  	s0 =	sadd.s32 $0x8F2B, s0  }
0xbd: {  	[sflag:s0] =	ssyncadd.remote.s32 $0x1  }
0xbe: {  	_ =	sfence.sel $0xFFFF  }
0xbf: {  	[dreg:$0x0] =	wrdreg $0xFFFFFFFF;
	(pc) =	sbr.abs _section_cstart, $3  }
0xc0: {  	[dreg:$0x1] =	wrdreg $0xFFFFFFFF  }
0xc1: {  	_ =	task.clear_ibuf [dreg:s7], $0x2FFFF;
	_ =	strace $0x9FFFFFFF  }
0xc2: {  	(tm) =	ssettm $0x7FFFFFFF  }
0xc3: {  	_ =	shalt  }
tec
execute0_lowered:
.L_overlay_start_1:
0x0: {  	(tag) =	ssettag $0x1  }
0x1: {  	v0 =	vimm.s32 $0x0;
	v1 =	vimm.s32 $0x1;
	v3 =	vimm.s32 $0xFEDCBA98  }
0x2: {  	v2 =	vimm.s32 $0x2;
	v5 =	vimm.s32 $0x76543210;
	v4 =	vimm.s32 $0x4  }
0x3: {  	v6 =	vimm.s32 $0x6;
	v8 =	vimm.s32 $0x8;
	v10 =	vimm.s32 $0xA  }
0x4: {  	v12 =	vimm.s32 $0xC;
	v15 =	vimm.s32 $0x32107654;
	v16 =	vimm.s32 $0xDCFE98BA  }
0x5: {  	s4 =	rddreg [dreg:$0x0];
	v17 =	vimm.s32 $0x54761032;
	v18 =	vimm.s32 $0xEFCDAB89;
	v7 =	vunpack.c.l.s4.s8 v3  }
0x6: {  	s1 =	rddreg [dreg:$0x1];
	v19 =	vimm.s32 $0x67452301;
	v3 =	vimm.s32 $0x3;
	v9 =	vunpack.c.l.s4.s8 v5  }
0x7: {  	s0 =	rddreg [dreg:$0x2];
	s2 =	simm.s32 $0x0;
	v5 =	vimm.s32 $0x5;
	v15 =	vunpack.c.l.s4.s8 v15;
	v11 =	vunpack.c.0.s8.s32 v7  }
0x8: {  	s5 =	srdreg.scid;
	s3 =	stileid.u32;
	s9 =	simm.s32 $0x2;
	v16 =	vunpack.c.l.s4.s8 v16;
	v17 =	vunpack.c.l.s4.s8 v17;
	v13 =	vunpack.c.0.s8.s32 v9  }
0x9: {  	s10 =	simm.s32 $0xC000;
	s11 =	simm.s32 $0x3;
	s12 =	simm.s32 $0x0;
	v18 =	vunpack.c.l.s4.s8 v18;
	v19 =	vunpack.c.l.s4.s8 v19;
	v14 =	vand.u32 $0xF, v11  }
0xa: {  	[smem:$0x7FF] =	sst s2;
	s5 =	sand.u32 $0x1, s5;
	s6 =	sshll.u32 s3, $0x1;
	v7 =	vimm.s32 $0x7;
	v13 =	vcombine.low v14, v13;
	v14 =	vimm.s32 $0xBA98FEDC  }
0xb: {  	s15 =	simm.s32 $0x0;
	_ =	strace $0x80000047;
	s6 =	sor.u32 s5, s6;
	v9 =	vimm.s32 $0x9;
	v15 =	vunpack.c.0.s8.s32 v15;
	v14 =	vunpack.c.l.s4.s8 v14  }
0xc: {  	s5 =	ssub.s32 $0x2, s5;
	s7 =	sshll.u32 s6, $0xB;
	s6 =	sshll.u32 s6, $0x7;
	v21 =	vunpack.c.0.s8.s32 v16;
	v17 =	vunpack.c.0.s8.s32 v17;
	v22 =	vunpack.c.0.s8.s32 v18  }
0xd: {  	s8 =	sshrl.u32 s5, $0x1;
	v19 =	vunpack.c.0.s8.s32 v19;
	v16 =	vimm.s32 $0xE;
	s7 =	sadd.s32 s7, s4;
	s6 =	sadd.s32 s6, s4;
	v20 =	vunpack.c.0.s8.s32 v14  }
0xe: {  	v18 =	vimm.s32 $0xF;
	s8 =	ssub.s32 s5, s8;
	v11 =	vimm.s32 $0xB;
	s4 =	sadd.s32 $0x1E00, s7;
	s5 =	sadd.s32 $0x11E00, s6;
	v17 =	vcombine.low v17, v21  }
0xf: {  	s6 =	smax.u32 s8, $0x1;
	s7 =	simm.s32 $0x4000;
	s8 =	simm.s32 $0x1;
	v19 =	vcombine.low v19, v22;
	v14 =	vimm.s32 $0xD;
	v15 =	vcombine.low v15, v20  }
.LBB2_1:
0x10: {  	[tilespmem:s2], [sflag:$0x1] =	stream.linear.gather [hbm4b:s4+s2], $0x4000, $0x38;
	[tilespmem:$0xC400] =	vst v63  }
0x11: {  	_ = 	snop  }
0x12: {  	[tilespmem:s7], [sflag:$0x2] =	stream.linear.gather [hbm4b:s1+s2], $0x8000, $0x38;
	[tilespmem:$0xC400] =	vst v63  }
0x13: {  	_ =	swait.ge [sflag:s8], $0x4000  }
0x14: {  	[sflag:s8] =	ssyncset.done $0x0  }
0x15: {  	[sflag:s8] =	ssyncadd.s32 $0xFFFFC000  }
0x16: {  	_ =	swait.ge [sflag:s9], $0x8000  }
0x17: {  	[sflag:s9] =	ssyncset.done $0x0  }
0x18: {  	s13 =	simm.s32 $0x0;
	[sflag:s9] =	ssyncadd.s32 $0xFFFF8000  }
.LBB2_2:
0x19: {  	s14 =	sshll.u32 s13, $0x7  }
0x1a: {  	s14 =	sand.u32 $0x3FFFFF80, s14  }
0x1b: {  	s17 =	sadd.s32 $0xC000, s14  }
0x1c: {  	s16 =	simm.s32 $0x4400;
	v20 =	vmov s17;
	s17 =	simm.s32 $0x0  }
.LBB2_3:
0x1d: {  	s18 =	sshll.u32 s17, $0xB  }
0x1e: {  	s18 =	sand.u32 $0x3FFFF800, s18  }
0x1f: {  	s31 =	sand.u32 $0x400, s15;
	s19 =	sadd.s32 s18, s14  }
0x20: {  	v21 =	vld [tilespmem:s16+$0xFFFFFC80];
	s20 =	sand.u32 $0x70, s15;
	s18 =	sadd.s32 s31, s19  }
0x21: {  	v25 =	vld [tilespmem:s16+$0x280];
	s18 =	sadd.s32 s20, s18  }
0x22: {  	v23 =	vld [tilespmem:s18+$0x0]  }
0x23: {  	v24 =	vld [tilespmem:s16+$0x0]  }
0x24: {  	v27 =	vld [tilespmem:s16+$0x100]  }
0x25: {  	v22 =	vld [tilespmem:s16+$0x80]  }
0x26: {  	v35 =	vld [tilespmem:s16+$0x300]  }
0x27: {  	v29 =	vld [tilespmem:s16+$0xFFFFFC00];
	v28 =	vperm.xlane v23, v0  }
0x28: {  	v34 =	vld [tilespmem:s16+$0xFFFFFF00];
	v30 =	vperm.xlane v23, v14;
	v39 =	vperm.xlane v23, v2  }
0x29: {  	v37 =	vld [tilespmem:s16+$0xFFFFFE00];
	v36 =	vperm.xlane v23, v4;
	v38 =	vperm.xlane v23, v6  }
0x2a: {  	v26 =	vld [tilespmem:s16+$0xFFFFFF80];
	v40 =	vperm.xlane v23, v11;
	v43 =	vperm.xlane v23, v5  }
0x2b: {  	v31 =	vld [tilespmem:s16+$0xFFFFFD80];
	v50 =	vperm.xlane v23, v16;
	v41 =	vperm.xlane v23, v18  }
0x2c: {  	v33 =	vimm.f32 $0.0e+00;
	v47 =	vld [tilespmem:s16+$0xFFFFFE80];
	v42 =	vperm.xlane v23, v12;
	v52 =	vperm.xlane v23, v10  }
0x2d: {  	v45 =	vld [tilespmem:s16+$0xFFFFFD00];
	v32 =	vadd.f32 v23, v33;
	v25 =	vmul.f32 v25, v30;
	v28 =	vmul.f32 v29, v28  }
0x2e: {  	v44 =	vld [tilespmem:s16+$0x180];
	v48 =	vmul.f32 v34, v38;
	v51 =	vmul.f32 v37, v36;
	v36 =	vimm.f32 $0.0e+00  }
0x2f: {  	v46 =	vld [tilespmem:s16+$0x200];
	s21 =	simm.s32 $0x80;
	v37 =	vimm.f32 $0.0e+00;
	v30 =	vimm.f32 $0.0e+00;
	v38 =	vimm.f32 $0.0e+00  }
0x30: {  	v49 =	vld [tilespmem:s16+$0x380];
	s22 =	sadd.s32 $0x800, s16;
	s20 =	simm.s32 $0x10;
	s18 =	sshll.u32 s17, $0x4;
	v29 =	vimm.f32 $0.0e+00;
	v34 =	vadd.f32 v28, v33;
	v28 =	vimm.f32 $0.0e+00  }
.LBB2_4:
0x31: {  	s23 =	sand.u32 $0x400, s21  }
0x32: {  	v53 =	vld [tilespmem:s22+$0xFFFFFC80];
	p0 =	sne.s32 s20, $0xF0;
	v43 =	vmul.f32 v47, v43;
	v35 =	vmul.f32 v35, v50;
	s24 =	smov.u32 s20;
	s20 =	sadd.s32 $0x10, s20  }
0x33: {  	s24 =	sand.u32 $0x70, s24;
	s23 =	sadd.s32 s23, s19;
	v50 =	vld [tilespmem:s22+$0x280];
	v39 =	vmul.f32 v45, v39;
	v45 =	vmul.f32 v27, v52  }
0x34: {  	v33 =	vadd.f32 v48, v33;
	v52 =	vperm.xlane v23, v3;
	s23 =	sadd.s32 s24, s23;
	v47 =	vld [tilespmem:s22+$0x0];
	v54 =	vmul.f32 v44, v40  }
0x35: {  	v36 =	vadd.f32 v51, v36;
	v44 =	vperm.xlane v23, v8;
	v40 =	vld [tilespmem:s23+$0x0];
	v42 =	vmul.f32 v46, v42  }
0x36: {  	v37 =	vadd.f32 v39, v37;
	v46 =	vperm.xlane v23, v7;
	v27 =	vld [tilespmem:s22+$0x100];
	v48 =	vmul.f32 v49, v41  }
0x37: {  	v33 =	vadd.f32 v35, v33;
	v39 =	vperm.xlane v23, v1;
	v41 =	vld [tilespmem:s22+$0x80];
	v36 =	vadd.f32 v42, v36  }
0x38: {  	v30 =	vadd.f32 v43, v30;
	v31 =	vmul.f32 v31, v52;
	v42 =	vmul.f32 v24, v44;
	v35 =	vld [tilespmem:s22+$0x300]  }
0x39: {  	v49 =	vperm.xlane v23, v9;
	v43 =	vmul.f32 v21, v39;
	v37 =	vadd.f32 v45, v37;
	v21 =	vmovc v53;
	v44 =	vld [tilespmem:s22+$0xFFFFFF80]  }
0x3a: {  	v30 =	vadd.f32 v25, v30;
	v24 =	vmovc v47;
	v51 =	vperm.xlane v40, v0;
	v52 =	vld [tilespmem:s22+$0xFFFFFC00];
	v45 =	vperm.xlane v40, v14  }
0x3b: {  	v57 =	vmul.f32 v26, v46;
	v34 =	vadd.f32 v42, v34;
	v39 =	vperm.xlane v40, v2;
	v23 =	vmovc v40;
	v53 =	vld [tilespmem:s22+$0xFFFFFF00]  }
0x3c: {  	v38 =	vadd.f32 v31, v38;
	v42 =	vmul.f32 v22, v49;
	v55 =	vperm.xlane v23, v4;
	v56 =	vld [tilespmem:s22+$0xFFFFFE00];
	v22 =	vmovc v41  }
0x3d: {  	v29 =	vadd.f32 v43, v29;
	v46 =	vperm.xlane v23, v6;
	v40 =	vperm.xlane v23, v11;
	v31 =	vld [tilespmem:s22+$0xFFFFFD80]  }
.Ltmp0:
0x3e: {  	v28 =	vadd.f32 v57, v28;
	v43 =	vperm.xlane v23, v5;
	v25 =	vmul.f32 v50, v45;
	v47 =	vld [tilespmem:s22+$0xFFFFFE80];
	v26 =	vmovc v44;
	(pc) =	sbr.rel @p0 .LBB2_4-.Ltmp0, $4  }
0x3f: {  	v29 =	vadd.f32 v42, v29;
	v50 =	vperm.xlane v23, v16;
	v41 =	vperm.xlane v23, v18;
	v45 =	vld [tilespmem:s22+$0xFFFFFD00]  }
0x40: {  	v32 =	vadd.f32 v23, v32;
	v28 =	vadd.f32 v48, v28;
	v49 =	vmul.f32 v52, v51;
	v44 =	vld [tilespmem:s22+$0x180]  }
0x41: {  	v38 =	vadd.f32 v54, v38;
	v42 =	vperm.xlane v23, v12;
	v48 =	vmul.f32 v53, v46;
	v46 =	vld [tilespmem:s22+$0x200]  }
0x42: {  	s21 =	sadd.s32 $0x80, s21;
	v52 =	vperm.xlane v23, v10;
	v34 =	vadd.f32 v49, v34;
	v51 =	vmul.f32 v56, v55;
	v49 =	vld [tilespmem:s22+$0x380];
	s22 =	sadd.s32 $0x800, s22  }
0x43: {  	v53 =	vperm.xlane v32, v13;
	_ =	sdelay $0x1  }
0x44: {  	v32 =	vadd.f32 v53, v32  }
0x45: {  	v43 =	vmul.f32 v47, v43  }
0x46: {  	v35 =	vmul.f32 v35, v50;
	v53 =	vperm.xlane v32, v15  }
0x47: {  	v57 =	vperm.xlane v23, v3;
	v59 =	vperm.xlane v23, v8  }
0x48: {  	v60 =	vperm.xlane v23, v7;
	v61 =	vperm.xlane v23, v1;
	v32 =	vadd.f32 v53, v32  }
0x49: {  	v23 =	vperm.xlane v23, v9;
	v39 =	vmul.f32 v45, v39  }
0x4a: {  	v33 =	vadd.f32 v48, v33;
	v27 =	vmul.f32 v27, v52;
	v58 =	vperm.xlane v32, v17  }
0x4b: {  	v36 =	vadd.f32 v51, v36;
	v40 =	vmul.f32 v44, v40;
	v31 =	vmul.f32 v31, v57  }
0x4c: {  	v33 =	vadd.f32 v35, v33;
	v24 =	vmul.f32 v24, v59;
	v32 =	vadd.f32 v58, v32  }
0x4d: {  	v30 =	vadd.f32 v43, v30;
	v21 =	vmul.f32 v21, v61;
	v26 =	vmul.f32 v26, v60  }
0x4e: {  	v37 =	vadd.f32 v39, v37;
	v31 =	vadd.f32 v31, v38;
	v62 =	vperm.xlane v32, v19  }
0x4f: {  	v22 =	vmul.f32 v22, v23;
	v21 =	vadd.f32 v21, v29;
	v23 =	vadd.f32 v24, v34  }
0x50: {  	v42 =	vmul.f32 v46, v42;
	v63 =	vadd.f32 v26, v28;
	v32 =	vadd.f32 v62, v32  }
0x51: {  	v41 =	vmul.f32 v49, v41;
	v25 =	vadd.f32 v25, v30;
	v27 =	vadd.f32 v27, v37  }
0x52: {  	v21 =	vadd.f32 v22, v21;
	v22 =	vadd.f32 v40, v31;
	(erf) = vrcp.f32 v32  }
0x53: {  	v36 =	vadd.f32 v42, v36;
	v24 =	vadd.f32 v41, v63  }
0x54: {  	v21 =	vadd.f32 v21, v23;
	v22 =	vadd.f32 v22, v27  }
0x55: {  	v23 =	vadd.f32 v25, v36;
	v24 =	vadd.f32 v24, v33;
	_ =	sdelay $0x1  }
0x56: {  	v21 =	vadd.f32 v22, v21;
	v22 =	vadd.f32 v24, v23  }
0x57: {  	s17 =	sadd.s32 $0x1, s17  }
0x58: {  	p0 =	sne.s32 s17, $0x8  }
.Ltmp1:
0x59: {  	v21 =	vadd.f32 v22, v21;
	(pc) =	sbr.rel @p0 .LBB2_3-.Ltmp1, $3  }
0x5a: {  	v22 =	vpop (erf)  }
0x5b: {  	v21 =	vmul.f32 v22, v21;
	_ =	sdelay $0x1  }
0x5c: {  	s16 =	sadd.s32 $0x10, s16;
	[tilespmem:v20+s18+$0x0 ss:$0x1] =	vst.idx.msk $0xffff, v21  }
0x5d: {  	s13 =	sadd.s32 $0x1, s13  }
0x5e: {  	p0 =	sne.s32 s13, $0x8  }
.Ltmp2:
0x5f: {  	_ = 	snop;
	(pc) =	sbr.rel @p0 .LBB2_2-.Ltmp2, $1  }
0x60: {  	_ =	sdelay $0x3  }
0x61: {  	s12 =	sadd.s32 $0x1, s12  }
0x62: {  	p0 =	sne.s32 s12, s6  }
.Ltmp3:
0x63: {  	_ = 	snop;
	(pc) =	sbr.rel @p0 .LBB2_1-.Ltmp3, $4  }
0x64: {  	[hbm4b:s5+s2] =	stream.linear.scatter [tilespmem:s10], [sflag:$0x3], $0x400, $0x38;
	[tilespmem:$0xC400] =	vst v63  }
0x65: {  	_ =	swait.ge [sflag:s11], $0x400  }
0x66: {  	[sflag:s11] =	ssyncset.done $0x0  }
0x67: {  	[sflag:s11] =	ssyncadd.s32 $0xFFFFFC00  }
0x68: {  	_ =	sfence.sel $0x180000  }
0x69: {  	[bflag:$0x0] =	sbarrier.arrive $0xFFFF  }
0x6a: {  	p0 =	sne.s32 s3, $0x0;
	_ =	strace $0x90000047  }
0x6b: {  	s0 =	sadd.s32 @!p0 $0x100000, s0;
	[bflag:$0x2] =	sbarrier.arrive $0xFFFF  }
0x6c: {  	[sflag:s0] =	ssyncadd.tile.s32 @!p0 $0x1;
	_ =	shalt  }
.Lfunc_end2:
_tile_overlayer_lowered:
.L_overlay_start_2:
0x6d: {  	(tag) =	ssettag $0x2  }
0x6e: {  	s0 =	rddreg [dreg:$0x0];
	s2 =	stileid.u32  }
0x6f: {  	s1 =	rddreg [dreg:$0x1];
	p0 =	sne.s32 s2, $0x0  }
0x70: {  	s3 =	rddreg [dreg:$0x2];
	[bflag:$0x3] =	sbarrier.arrive $0xFFFF;
	s2 =	simm.s32 @!p0 $0x1C03  }
0x71: {  	[timem:s3], [sflag:s2] =	dma.local @!p0 [hbm:s0], s1  }
0x72: {  	s0 =	simm.s32 @!p0 $0x3  }
0x73: {  	_ =	swait.ge @!p0 [sflag:s0], s1  }
0x74: {  	s1 =	ssub.s32 @!p0 $0x0, s1;
	[sflag:s0] =	ssyncset.done @!p0 $0x0  }
0x75: {  	[sflag:s0] =	ssyncadd.s32 @!p0 s1  }
0x76: {  	[bflag:$0x3] =	sbarrier.arrive $0xFFFF  }
0x77: {  	_ =	shalt  }

</sc_bundles>
